<compile_context>
chip_gen: v7x
topology: tpu7x:2x2x1
jax: 0.10.2.dev20260603
libtpu: 0.0.44.dev20260713+nightly
codegen_flags: <defaults>
</compile_context>

<pallas_src>
import functools

import jax
import jax.numpy as jnp
from jax import lax
from jax.experimental import pallas as pl
from jax.experimental.pallas import tpu as pltpu
from jax.experimental.pallas import tpu_sc as plsc

_PARAMS = pltpu.CompilerParams(vmem_limit_bytes=100 * 1024 * 1024)

_N = 2048
_B = 32
_U = 64
_I = 2
_NM = 5
_GB = 4


_MAXN = 4096
_RC = 32
_NW = 32


def _densify_body(r1, c1, v1, r2, c2, v2, of1, of2, o1, o2,
                  rowbuf, rstg, cstg, vstg, ostg):
    wid = lax.axis_index("s") * 2 + lax.axis_index("c")
    zeros = jnp.zeros((16,), jnp.float32)
    for (r_h, c_h, v_h, o_h, of_h) in ((r1, c1, v1, o1, of1),
                                       (r2, c2, v2, o2, of2)):
        pltpu.sync_copy(of_h, ostg)
        for cix in range(2):
            k = wid + _NW * cix
            base = k * _RC
            kvec = jnp.zeros((16,), jnp.int32) + k
            s0 = pl.multiple_of(
                jnp.max(plsc.load_gather(ostg, [kvec])) & ~15, 16)
            pltpu.sync_copy(r_h.at[pl.ds(s0, _MAXN)], rstg)
            pltpu.sync_copy(c_h.at[pl.ds(s0, _MAXN)], cstg)
            pltpu.sync_copy(v_h.at[pl.ds(s0, _MAXN)], vstg)

            def zero_body(i, _):
                def zcol(j, _):
                    rowbuf[i, pl.ds(j * 16, 16)] = zeros
                    return 0

                lax.fori_loop(0, 2048 // 16, zcol, 0)
                return 0

            lax.fori_loop(0, _RC, zero_body, 0)

            basev = jnp.zeros((16,), jnp.int32) + base

            def scat_body(t, _):
                rv = rstg[pl.ds(t * 16, 16)]
                cv = cstg[pl.ds(t * 16, 16)]
                vv = vstg[pl.ds(t * 16, 16)]
                msk = (rv >= base) & (rv < base + _RC)
                plsc.store_scatter(rowbuf, [rv - basev, cv], vv, mask=msk)
                return 0

            lax.fori_loop(0, _MAXN // 16, scat_body, 0)
            pltpu.sync_copy(rowbuf, o_h.at[pl.ds(base, _RC)])


def _densify(s1_rows, s1_cols, s1_vals, s2_rows, s2_cols, s2_vals):
    bound = jnp.arange(0, _N + 1, _RC, dtype=jnp.int32)
    nnz1 = s1_rows.shape[0]
    nnz2 = s2_rows.shape[0]

    def prep(rows, nnz):
        offs = jnp.sum(rows[None, :] < bound[:, None], axis=1,
                       dtype=jnp.int32)
        offs = jnp.minimum(offs, nnz - _MAXN)
        return jnp.pad(offs, (0, 7))

    of1 = prep(s1_rows, nnz1)
    of2 = prep(s2_rows, nnz2)
    rp1, cp1, vp1 = s1_rows, s1_cols, s1_vals
    rp2, cp2, vp2 = s2_rows, s2_cols, s2_vals
    mesh = plsc.VectorSubcoreMesh(core_axis_name="c", subcore_axis_name="s")
    kfn = pl.kernel(
        _densify_body,
        out_type=[jax.ShapeDtypeStruct((_N, _N), jnp.float32)] * 2,
        mesh=mesh,
        scratch_types=[
            pltpu.VMEM((_RC, 2048), jnp.float32),
            pltpu.VMEM((_MAXN,), jnp.int32),
            pltpu.VMEM((_MAXN,), jnp.int32),
            pltpu.VMEM((_MAXN,), jnp.float32),
            pltpu.VMEM((72,), jnp.int32),
        ],
        compiler_params=pltpu.CompilerParams(needs_layout_passes=False),
    )
    return kfn(rp1, cp1, vp1, rp2, cp2, vp2, of1, of2)


def _chain(s1, s2, x):
    y1 = jnp.dot(s1, x, preferred_element_type=jnp.float32)
    y1b = y1.astype(jnp.bfloat16)
    y2 = 2.0 * jnp.dot(s1, y1b, preferred_element_type=jnp.float32) \
        - x.astype(jnp.float32)
    y3 = jnp.dot(s2, y1b, preferred_element_type=jnp.float32)
    y3b = y3.astype(jnp.bfloat16)
    y4 = 2.0 * jnp.dot(s2, y3b, preferred_element_type=jnp.float32) \
        - y1b.astype(jnp.float32)
    return y1b, y2.astype(jnp.bfloat16), y3b, y4.astype(jnp.bfloat16)


def _xi_body(s1_ref, s2_ref, xi_ref, s1b_ref, s2b_ref,
             o1_ref, o2_ref, o3_ref, o4_ref):
    s1b = s1_ref[...].astype(jnp.bfloat16)
    s2b = s2_ref[...].astype(jnp.bfloat16)
    s1b_ref[...] = s1b
    s2b_ref[...] = s2b
    y1, y2, y3, y4 = _chain(s1b, s2b, xi_ref[...])
    o1_ref[...] = y1
    o2_ref[...] = y2
    o3_ref[...] = y3
    o4_ref[...] = y4


def _ru_body(s1_ref, s2_ref, xic_ref, wi_ref, ws_ref, b_ref, hx_ref,
             xsp_ref, u_ref):
    s1 = s1_ref[...]
    s2 = s2_ref[...]
    hxb = [hx_ref[jb] for jb in range(_GB)]
    hxb16 = [h.astype(jnp.bfloat16) for h in hxb]
    xs = jnp.concatenate(hxb16, axis=1)
    ys = _chain(s1, s2, xs)
    wi = wi_ref[...]
    bias = b_ref[...].astype(jnp.float32)
    wsf = ws_ref[...].reshape(_NM * _U, 2 * _U)
    rhx = []
    for jb in range(_GB):
        sl = slice(jb * _U, (jb + 1) * _U)
        z = jnp.concatenate([hxb16[jb]] + [y[:, sl] for y in ys], axis=1)
        acc = bias + jnp.dot(xic_ref[jb], wi,
                             preferred_element_type=jnp.float32)
        acc = acc + jnp.dot(z, wsf, preferred_element_type=jnp.float32)
        val = jax.nn.sigmoid(acc)
        r = val[:, :_U]
        u_ref[jb] = val[:, _U:]
        rhx.append((r * hxb[jb]).astype(jnp.bfloat16))
    xsp_ref[...] = jnp.concatenate(rhx, axis=1)


def _gout_body(s1_ref, s2_ref, xic_ref, wi_ref, ws_ref, b_ref, xsp_ref,
               u_ref, hx_ref, o_ref):
    s1 = s1_ref[...]
    s2 = s2_ref[...]
    xs = xsp_ref[...]
    ys = _chain(s1, s2, xs)
    wi = wi_ref[...]
    bias = b_ref[...].astype(jnp.float32)
    wsf = ws_ref[...].reshape(_NM * _U, _U)
    for jb in range(_GB):
        sl = slice(jb * _U, (jb + 1) * _U)
        z = jnp.concatenate([xs[:, sl]] + [y[:, sl] for y in ys], axis=1)
        acc = bias + jnp.dot(xic_ref[jb], wi,
                             preferred_element_type=jnp.float32)
        acc = acc + jnp.dot(z, wsf, preferred_element_type=jnp.float32)
        c = jnp.tanh(acc)
        u = u_ref[jb]
        o_ref[jb] = u * hx_ref[jb] + (1.0 - u) * c


def _split_weights(w, out_dim):
    w3 = w.reshape(_I + _U, _NM, out_dim)
    wi = jnp.transpose(w3[:_I], (1, 0, 2)).reshape(_NM * _I, out_dim)
    ws = jnp.transpose(w3[_I:], (1, 0, 2))
    return wi.astype(jnp.bfloat16), ws.astype(jnp.bfloat16)


def kernel(inputs, hx, ru_weights, ru_biases, gconv_weights, gconv_biases,
           s1_rows, s1_cols, s1_vals, s2_rows, s2_cols, s2_vals):
    s1f, s2f = _densify(s1_rows, s1_cols, s1_vals,
                        s2_rows, s2_cols, s2_vals)

    xi = inputs.reshape(_B, _N, _I).transpose(1, 0, 2).reshape(_N, _B * _I)
    xib = xi.astype(jnp.bfloat16)
    hx3 = hx.reshape(_B, _N, _U)

    wi_ru, ws_ru = _split_weights(ru_weights, 2 * _U)
    wi_g, ws_g = _split_weights(gconv_weights, _U)
    b_ru = ru_biases.reshape(1, 2 * _U)
    b_g = gconv_biases.reshape(1, _U)

    full = pl.BlockSpec((_N, _N), lambda j: (0, 0))
    xifull = pl.BlockSpec((_N, _B * _I), lambda j: (0, 0))
    s1d, s2d, xm1, xm2, xm3, xm4 = pl.pallas_call(
        _xi_body,
        grid=(1,),
        in_specs=[full, full, xifull],
        out_specs=[full, full] + [xifull] * 4,
        out_shape=(
            [jax.ShapeDtypeStruct((_N, _N), jnp.bfloat16)] * 2
            + [jax.ShapeDtypeStruct((_N, _B * _I), jnp.bfloat16)] * 4
        ),
        compiler_params=_PARAMS,
    )(s1f, s2f, xib)

    xic = jnp.stack(
        [a.reshape(_N, _B, _I) for a in (xib, xm1, xm2, xm3, xm4)], axis=2
    ).reshape(_N, _B, _NM * _I).transpose(1, 0, 2)

    grid = (_B // _GB,)
    xicspec = pl.BlockSpec((_GB, _N, _NM * _I), lambda j: (j, 0, 0))
    wispec2 = pl.BlockSpec((_NM * _I, 2 * _U), lambda j: (0, 0))
    wsspec2 = pl.BlockSpec((_NM, _U, 2 * _U), lambda j: (0, 0, 0))
    wispec1 = pl.BlockSpec((_NM * _I, _U), lambda j: (0, 0))
    wsspec1 = pl.BlockSpec((_NM, _U, _U), lambda j: (0, 0, 0))
    bspec2 = pl.BlockSpec((1, 2 * _U), lambda j: (0, 0))
    bspec1 = pl.BlockSpec((1, _U), lambda j: (0, 0))
    bblk = pl.BlockSpec((_GB, _N, _U), lambda j: (j, 0, 0))
    xsblk = pl.BlockSpec((_N, _GB * _U), lambda j: (0, j))

    xsp, u = pl.pallas_call(
        _ru_body,
        grid=grid,
        in_specs=[full, full, xicspec, wispec2, wsspec2, bspec2, bblk],
        out_specs=[xsblk, bblk],
        out_shape=[jax.ShapeDtypeStruct((_N, _B * _U), jnp.bfloat16),
                   jax.ShapeDtypeStruct((_B, _N, _U), jnp.float32)],
        compiler_params=_PARAMS,
    )(s1d, s2d, xic, wi_ru, ws_ru, b_ru, hx3)

    out = pl.pallas_call(
        _gout_body,
        grid=grid,
        in_specs=[full, full, xicspec, wispec1, wsspec1, bspec1, xsblk,
                  bblk, bblk],
        out_specs=bblk,
        out_shape=jax.ShapeDtypeStruct((_B, _N, _U), jnp.float32),
        compiler_params=_PARAMS,
    )(s1d, s2d, xic, wi_g, ws_g, b_g, xsp, u, hx3)

    return out.reshape(_B, _N * _U)

# --- scband reference (transcript-rebuilt; emitter-appended) ---
"""Pipeline reference for scband-dcgrucell-18030272708970 (READ-ONLY COPY).

The authoritative reference and input builder live on the scoring server;
editing this copy changes nothing except your own understanding.
"""

import jax, jax.numpy as jnp
import numpy as np

N = 2048
B = 32
NUM_UNITS = 64
INPUT_DIM = 2
MAX_DIFFUSION_STEP = 2


def _build_supports():
    rng = np.random.default_rng(0)
    mask = rng.random((N, N)) < 0.01
    A = mask.astype(np.float32) * rng.random((N, N)).astype(np.float32)
    d_out = A.sum(axis=1)
    d_out[d_out == 0.0] = 1.0
    s1 = (A / d_out[:, None]).T  # random_walk(A).T
    d_in = A.sum(axis=0)
    d_in[d_in == 0.0] = 1.0
    s2 = (A.T / d_in[:, None]).T  # reverse_random_walk(A).T
    sup = []
    for S in (s1, s2):
        r, c = np.nonzero(S)
        sup.append((r.astype(np.int32), c.astype(np.int32), S[r, c].astype(np.float32)))
    return sup


def setup_inputs(seed: int = 0):
    key = jax.random.key(seed)
    k1, k2, k3, k4 = jax.random.split(key, 4)
    sup = _build_supports()
    num_matrices = 2 * MAX_DIFFUSION_STEP + 1
    input_size_gconv = (NUM_UNITS + INPUT_DIM) * num_matrices
    std_ru = float(np.sqrt(2.0 / (input_size_gconv + 2 * NUM_UNITS)))
    std_g = float(np.sqrt(2.0 / (input_size_gconv + NUM_UNITS)))
    return {
        "inputs": jax.random.normal(k1, (B, N * INPUT_DIM), dtype=jnp.float32),
        "hx": jax.random.normal(k2, (B, N * NUM_UNITS), dtype=jnp.float32),
        "ru_weights": jax.random.normal(k3, (input_size_gconv, 2 * NUM_UNITS), dtype=jnp.float32) * std_ru,
        "ru_biases": jnp.ones((2 * NUM_UNITS,), dtype=jnp.float32),
        "gconv_weights": jax.random.normal(k4, (input_size_gconv, NUM_UNITS), dtype=jnp.float32) * std_g,
        "gconv_biases": jnp.zeros((NUM_UNITS,), dtype=jnp.float32),
        "s1_rows": jnp.asarray(sup[0][0]),
        "s1_cols": jnp.asarray(sup[0][1]),
        "s1_vals": jnp.asarray(sup[0][2]),
        "s2_rows": jnp.asarray(sup[1][0]),
        "s2_cols": jnp.asarray(sup[1][1]),
        "s2_vals": jnp.asarray(sup[1][2]),
    }


def _spmm(rows, cols, vals, x):
    # sparse matmul as gather + scatter-add (SparseCore-friendly)
    return jax.ops.segment_sum(vals[:, None] * jnp.take(x, cols, axis=0), rows, num_segments=x.shape[0])


def _gconv(inputs, state, weights, biases, supports):
    b = inputs.shape[0]
    xi = inputs.reshape(b, N, -1)
    xs_ = state.reshape(b, N, -1)
    x = jnp.concatenate([xi, xs_], axis=2)
    input_size = x.shape[2]
    x0 = jnp.transpose(x, (1, 2, 0)).reshape(N, input_size * b)
    mats = [x0]
    # NOTE: faithful to the torch code, x0/x1 are mutated across supports
    for rows, cols, vals in supports:
        x1 = _spmm(rows, cols, vals, x0)
        mats.append(x1)
        for _ in range(2, MAX_DIFFUSION_STEP + 1):
            x2 = 2.0 * _spmm(rows, cols, vals, x1) - x0
            mats.append(x2)
            x1, x0 = x2, x1
    num_matrices = len(mats)
    x = jnp.stack(mats, axis=0).reshape(num_matrices, N, input_size, b)
    x = jnp.transpose(x, (3, 1, 2, 0)).reshape(b * N, input_size * num_matrices)
    x = x @ weights + biases
    return x.reshape(b, N * weights.shape[1])


def reference(inputs, hx, ru_weights, ru_biases, gconv_weights, gconv_biases, s1_rows, s1_cols, s1_vals, s2_rows, s2_cols, s2_vals):
    supports = [(s1_rows, s1_cols, s1_vals), (s2_rows, s2_cols, s2_vals)]
    value = jax.nn.sigmoid(_gconv(inputs, hx, ru_weights, ru_biases, supports))
    value = value.reshape(-1, N, 2 * NUM_UNITS)
    r = value[..., :NUM_UNITS].reshape(-1, N * NUM_UNITS)
    u = value[..., NUM_UNITS:].reshape(-1, N * NUM_UNITS)
    c = jnp.tanh(_gconv(inputs, r * hx, gconv_weights, gconv_biases, supports))
    return u * hx + (1.0 - u) * c

if __name__ == "__main__":
    import jax
    _d = setup_inputs()
    print(jax.jit(kernel)(*tuple(_d.values())))

</pallas_src>

<mosaic_0001>
#map = affine_map<(d0, d1) -> (0)>
#map1 = affine_map<(d0, d1) -> (0, 0)>
module attributes {stable_mosaic.version = 14 : i64} {
  func.func @_densify_body(%arg0: i32, %arg1: i32, %arg2: memref<41732xi32, #tpu.memory_space<hbm>>, %arg3: memref<41732xi32, #tpu.memory_space<hbm>>, %arg4: memref<41732xf32, #tpu.memory_space<hbm>>, %arg5: memref<41732xi32, #tpu.memory_space<hbm>>, %arg6: memref<41732xi32, #tpu.memory_space<hbm>>, %arg7: memref<41732xf32, #tpu.memory_space<hbm>>, %arg8: memref<72xi32, #tpu.memory_space<hbm>>, %arg9: memref<72xi32, #tpu.memory_space<hbm>>, %arg10: memref<2048x2048xf32, #tpu.memory_space<hbm>>, %arg11: memref<2048x2048xf32, #tpu.memory_space<hbm>>, %arg12: memref<32x2048xf32, #tpu.memory_space<vmem>>, %arg13: memref<4096xi32, #tpu.memory_space<vmem>>, %arg14: memref<4096xi32, #tpu.memory_space<vmem>>, %arg15: memref<4096xf32, #tpu.memory_space<vmem>>, %arg16: memref<72xi32, #tpu.memory_space<vmem>>) attributes {dimension_semantics = [#tpu.dimension_semantics<core_parallel>, #tpu.dimension_semantics<subcore_parallel>], iteration_bounds = array<i64: 2, 16>, scalar_prefetch = 0 : i64, scratch_operands = 5 : i64, tpu.core_type = #tpu.core_type<sc_vector_subcore>, window_params = [{transform_indices = #map}, {transform_indices = #map}, {transform_indices = #map}, {transform_indices = #map}, {transform_indices = #map}, {transform_indices = #map}, {transform_indices = #map}, {transform_indices = #map}, {transform_indices = #map1}, {transform_indices = #map1}]} {
    %mul3A = arith.constant 2 : i32
    %mul3A_0 = arith.muli %arg1, %mul3A : i32
    %add3A = arith.addi %mul3A_0, %arg0 : i32
    %broadcast_in_dim3A = arith.constant 0.000000e+00 : f32
    %broadcast_in_dim3A_1 = vector.broadcast %broadcast_in_dim3A : f32 to vector<16xf32>
    "tpu.region"() ({
      %run_scoped3A = tpu.sem_alloc : memref<!tpu.dma_semaphore, #tpu.memory_space<semaphore_mem>>
      tpu.enqueue_dma source(%arg8 : memref<72xi32, #tpu.memory_space<hbm>>) target(%arg16 : memref<72xi32, #tpu.memory_space<vmem>>) target_semaphore(%run_scoped3A : memref<!tpu.dma_semaphore, #tpu.memory_space<semaphore_mem>>)
      tpu.wait_dma2 semaphore(%run_scoped3A : memref<!tpu.dma_semaphore, #tpu.memory_space<semaphore_mem>>) src(%arg8 : memref<72xi32, #tpu.memory_space<hbm>>) dst(%arg16 : memref<72xi32, #tpu.memory_space<vmem>>)
      tpu.yield
    }) : () -> ()
    %add3A_2 = arith.constant 0 : i32
    %add3A_3 = arith.addi %add3A, %add3A_2 : i32
    %mul3A_4 = arith.constant 32 : i32
    %mul3A_5 = arith.muli %add3A_3, %mul3A_4 : i32
    %broadcast_in_dim3A_6 = arith.constant 0 : i32
    %broadcast_in_dim3A_7 = vector.broadcast %broadcast_in_dim3A_6 : i32 to vector<16xi32>
    %add3A_8 = vector.broadcast %add3A_3 : i32 to vector<16xi32>
    %add3A_9 = arith.addi %broadcast_in_dim3A_7, %add3A_8 : vector<16xi32>
    %gather3A = tpu.vector_load_idx %arg16[%add3A_9] : memref<72xi32, #tpu.memory_space<vmem>>[vector<16xi32>], vector<16xi32>,
    %reduce_max3A = arith.constant true
    %reduce_max3A_10 = vector.broadcast %reduce_max3A : i1 to vector<16xi1>
    %reduce_max3A_11 = arith.constant -2147483648 : i32
    %reduce_max3A_12 = vector.broadcast %reduce_max3A_11 : i32 to vector<16xi32>
    %reduce_max3A_13 = arith.xori %gather3A, %reduce_max3A_12 : vector<16xi32>
    %reduce_max3A_14 = tpu.scan <max>, %reduce_max3A_13 masked %reduce_max3A_10 : vector<16xi32>, vector<16xi1> -> vector<16xi32>
    %reduce_max3A_15 = arith.xori %reduce_max3A_14, %reduce_max3A_12 : vector<16xi32>
    %reduce_max3A_16 = vector.extract %reduce_max3A_15[15] : i32 from vector<16xi32>
    %and3A = arith.constant -16 : i32
    %and3A_17 = arith.andi %reduce_max3A_16, %and3A : i32
    %multiple_of3A = tpu.assume_multiple %and3A_17, 16 : i32
    "tpu.region"() ({
      %run_scoped3A = tpu.sem_alloc : memref<!tpu.dma_semaphore, #tpu.memory_space<semaphore_mem>>
      %dma_start3A = tpu.memref_slice %arg2[%multiple_of3A] : memref<41732xi32, #tpu.memory_space<hbm>> -> memref<4096xi32, #tpu.memory_space<hbm>>
      %dma_start3A_149 = tpu.memref_slice %arg2[%multiple_of3A] : memref<41732xi32, #tpu.memory_space<hbm>> -> memref<4096xi32, #tpu.memory_space<hbm>>
      tpu.enqueue_dma source(%dma_start3A_149 : memref<4096xi32, #tpu.memory_space<hbm>>) target(%arg13 : memref<4096xi32, #tpu.memory_space<vmem>>) target_semaphore(%run_scoped3A : memref<!tpu.dma_semaphore, #tpu.memory_space<semaphore_mem>>)
      %dma_wait3A = tpu.memref_slice %arg2[%multiple_of3A] : memref<41732xi32, #tpu.memory_space<hbm>> -> memref<4096xi32, #tpu.memory_space<hbm>>
      %dma_wait3A_150 = tpu.memref_slice %arg2[%multiple_of3A] : memref<41732xi32, #tpu.memory_space<hbm>> -> memref<4096xi32, #tpu.memory_space<hbm>>
      tpu.wait_dma2 semaphore(%run_scoped3A : memref<!tpu.dma_semaphore, #tpu.memory_space<semaphore_mem>>) src(%dma_wait3A_150 : memref<4096xi32, #tpu.memory_space<hbm>>) dst(%arg13 : memref<4096xi32, #tpu.memory_space<vmem>>)
      tpu.yield
    }) : () -> ()
    "tpu.region"() ({
      %run_scoped3A = tpu.sem_alloc : memref<!tpu.dma_semaphore, #tpu.memory_space<semaphore_mem>>
      %dma_start3A = tpu.memref_slice %arg3[%multiple_of3A] : memref<41732xi32, #tpu.memory_space<hbm>> -> memref<4096xi32, #tpu.memory_space<hbm>>
      %dma_start3A_149 = tpu.memref_slice %arg3[%multiple_of3A] : memref<41732xi32, #tpu.memory_space<hbm>> -> memref<4096xi32, #tpu.memory_space<hbm>>
      tpu.enqueue_dma source(%dma_start3A_149 : memref<4096xi32, #tpu.memory_space<hbm>>) target(%arg14 : memref<4096xi32, #tpu.memory_space<vmem>>) target_semaphore(%run_scoped3A : memref<!tpu.dma_semaphore, #tpu.memory_space<semaphore_mem>>)
      %dma_wait3A = tpu.memref_slice %arg3[%multiple_of3A] : memref<41732xi32, #tpu.memory_space<hbm>> -> memref<4096xi32, #tpu.memory_space<hbm>>
      %dma_wait3A_150 = tpu.memref_slice %arg3[%multiple_of3A] : memref<41732xi32, #tpu.memory_space<hbm>> -> memref<4096xi32, #tpu.memory_space<hbm>>
      tpu.wait_dma2 semaphore(%run_scoped3A : memref<!tpu.dma_semaphore, #tpu.memory_space<semaphore_mem>>) src(%dma_wait3A_150 : memref<4096xi32, #tpu.memory_space<hbm>>) dst(%arg14 : memref<4096xi32, #tpu.memory_space<vmem>>)
      tpu.yield
    }) : () -> ()
    "tpu.region"() ({
      %run_scoped3A = tpu.sem_alloc : memref<!tpu.dma_semaphore, #tpu.memory_space<semaphore_mem>>
      %dma_start3A = tpu.memref_slice %arg4[%multiple_of3A] : memref<41732xf32, #tpu.memory_space<hbm>> -> memref<4096xf32, #tpu.memory_space<hbm>>
      %dma_start3A_149 = tpu.memref_slice %arg4[%multiple_of3A] : memref<41732xf32, #tpu.memory_space<hbm>> -> memref<4096xf32, #tpu.memory_space<hbm>>
      tpu.enqueue_dma source(%dma_start3A_149 : memref<4096xf32, #tpu.memory_space<hbm>>) target(%arg15 : memref<4096xf32, #tpu.memory_space<vmem>>) target_semaphore(%run_scoped3A : memref<!tpu.dma_semaphore, #tpu.memory_space<semaphore_mem>>)
      %dma_wait3A = tpu.memref_slice %arg4[%multiple_of3A] : memref<41732xf32, #tpu.memory_space<hbm>> -> memref<4096xf32, #tpu.memory_space<hbm>>
      %dma_wait3A_150 = tpu.memref_slice %arg4[%multiple_of3A] : memref<41732xf32, #tpu.memory_space<hbm>> -> memref<4096xf32, #tpu.memory_space<hbm>>
      tpu.wait_dma2 semaphore(%run_scoped3A : memref<!tpu.dma_semaphore, #tpu.memory_space<semaphore_mem>>) src(%dma_wait3A_150 : memref<4096xf32, #tpu.memory_space<hbm>>) dst(%arg15 : memref<4096xf32, #tpu.memory_space<vmem>>)
      tpu.yield
    }) : () -> ()
    %scan3A = arith.constant 0 : i32
    %scan3A_18 = arith.constant 0 : i32
    %scan3A_19 = arith.constant 32 : i32
    %scan3A_20 = arith.addi %scan3A_18, %scan3A_19 : i32
    %scan3A_21 = arith.constant 1 : i32
    %scan3A_22 = scf.for %scan3A_149 = %scan3A_18 to %scan3A_20 step %scan3A_21 iter_args(%scan3A_150 = %scan3A) -> (i32)  : i32 {
      %scan3A_151 = arith.constant 0 : i32
      %scan3A_152 = arith.constant 0 : i32
      %scan3A_153 = arith.constant 128 : i32
      %scan3A_154 = arith.addi %scan3A_152, %scan3A_153 : i32
      %scan3A_155 = arith.constant 1 : i32
      %scan3A_156 = scf.for %scan3A_159 = %scan3A_152 to %scan3A_154 step %scan3A_155 iter_args(%scan3A_160 = %scan3A_151) -> (i32)  : i32 {
        %mul3A_161 = arith.constant 16 : i32
        %mul3A_162 = arith.muli %scan3A_159, %mul3A_161 : i32
        %swap3A = arith.index_cast %scan3A_149 : i32 to index
        %swap3A_163 = arith.index_cast %mul3A_162 : i32 to index
        %swap3A_164 = tpu.vector_load %arg12[%swap3A, %swap3A_163] {strides = array<i32>} : memref<32x2048xf32, #tpu.memory_space<vmem>>, vector<16xf32>,
        tpu.vector_store %arg12[%swap3A, %swap3A_163], %broadcast_in_dim3A_1 {strides = array<i32>} : memref<32x2048xf32, #tpu.memory_space<vmem>>, vector<16xf32>,
        %scan3A_165 = arith.constant 0 : i32
        scf.yield %scan3A_165 : i32
      }
      %scan3A_157 = arith.constant 128 : i32
      %scan3A_158 = arith.constant 0 : i32
      scf.yield %scan3A_158 : i32
    }
    %scan3A_23 = arith.constant 32 : i32
    %broadcast_in_dim3A_24 = arith.constant 0 : i32
    %broadcast_in_dim3A_25 = vector.broadcast %broadcast_in_dim3A_24 : i32 to vector<16xi32>
    %add3A_26 = vector.broadcast %mul3A_5 : i32 to vector<16xi32>
    %add3A_27 = arith.addi %broadcast_in_dim3A_25, %add3A_26 : vector<16xi32>
    %scan3A_28 = arith.constant 0 : i32
    %scan3A_29 = arith.constant 0 : i32
    %scan3A_30 = arith.constant 256 : i32
    %scan3A_31 = arith.addi %scan3A_29, %scan3A_30 : i32
    %scan3A_32 = arith.constant 1 : i32
    %scan3A_33 = scf.for %scan3A_149 = %scan3A_29 to %scan3A_31 step %scan3A_32 iter_args(%scan3A_150 = %scan3A_28) -> (i32)  : i32 {
      %mul3A_151 = arith.constant 16 : i32
      %mul3A_152 = arith.muli %scan3A_149, %mul3A_151 : i32
      %get3A = arith.index_cast %mul3A_152 : i32 to index
      %get3A_153 = tpu.vector_load %arg13[%get3A] {strides = array<i32>} : memref<4096xi32, #tpu.memory_space<vmem>>, vector<16xi32>,
      %mul3A_154 = arith.constant 16 : i32
      %mul3A_155 = arith.muli %scan3A_149, %mul3A_154 : i32
      %get3A_156 = arith.index_cast %mul3A_155 : i32 to index
      %get3A_157 = tpu.vector_load %arg14[%get3A_156] {strides = array<i32>} : memref<4096xi32, #tpu.memory_space<vmem>>, vector<16xi32>,
      %mul3A_158 = arith.constant 16 : i32
      %mul3A_159 = arith.muli %scan3A_149, %mul3A_158 : i32
      %get3A_160 = arith.index_cast %mul3A_159 : i32 to index
      %get3A_161 = tpu.vector_load %arg15[%get3A_160] {strides = array<i32>} : memref<4096xf32, #tpu.memory_space<vmem>>, vector<16xf32>,
      %ge3A = vector.broadcast %mul3A_5 : i32 to vector<16xi32>
      %ge3A_162 = arith.cmpi sge, %get3A_153, %ge3A : vector<16xi32>
      %add3A_163 = arith.constant 32 : i32
      %add3A_164 = arith.addi %mul3A_5, %add3A_163 : i32
      %lt3A = vector.broadcast %add3A_164 : i32 to vector<16xi32>
      %lt3A_165 = arith.cmpi slt, %get3A_153, %lt3A : vector<16xi32>
      %and3A_166 = arith.andi %ge3A_162, %lt3A_165 : vector<16xi1>
      %sub3A = arith.subi %get3A_153, %add3A_27 : vector<16xi32>
      tpu.vector_store_idx %arg12[%sub3A, %get3A_157], %get3A_161 masked %and3A_166 : memref<32x2048xf32, #tpu.memory_space<vmem>>[vector<16xi32>, vector<16xi32>], vector<16xf32>, vector<16xi1>
      %scan3A_167 = arith.constant 0 : i32
      scf.yield %scan3A_167 : i32
    }
    %scan3A_34 = arith.constant 256 : i32
    "tpu.region"() ({
      %run_scoped3A = tpu.sem_alloc : memref<!tpu.dma_semaphore, #tpu.memory_space<semaphore_mem>>
      %dma_start3A = arith.constant 0 : i32
      %dma_start3A_149 = tpu.memref_slice %arg10[%mul3A_5, %dma_start3A] : memref<2048x2048xf32, #tpu.memory_space<hbm>> -> memref<32x2048xf32, #tpu.memory_space<hbm>>
      %dma_start3A_150 = arith.constant 0 : i32
      %dma_start3A_151 = tpu.memref_slice %arg10[%mul3A_5, %dma_start3A_150] : memref<2048x2048xf32, #tpu.memory_space<hbm>> -> memref<32x2048xf32, #tpu.memory_space<hbm>>
      tpu.enqueue_dma source(%arg12 : memref<32x2048xf32, #tpu.memory_space<vmem>>) target(%dma_start3A_151 : memref<32x2048xf32, #tpu.memory_space<hbm>>) target_semaphore(%run_scoped3A : memref<!tpu.dma_semaphore, #tpu.memory_space<semaphore_mem>>)
      %dma_wait3A = arith.constant 0 : i32
      %dma_wait3A_152 = tpu.memref_slice %arg10[%mul3A_5, %dma_wait3A] : memref<2048x2048xf32, #tpu.memory_space<hbm>> -> memref<32x2048xf32, #tpu.memory_space<hbm>>
      %dma_wait3A_153 = arith.constant 0 : i32
      %dma_wait3A_154 = tpu.memref_slice %arg10[%mul3A_5, %dma_wait3A_153] : memref<2048x2048xf32, #tpu.memory_space<hbm>> -> memref<32x2048xf32, #tpu.memory_space<hbm>>
      tpu.wait_dma2 semaphore(%run_scoped3A : memref<!tpu.dma_semaphore, #tpu.memory_space<semaphore_mem>>) src(%arg12 : memref<32x2048xf32, #tpu.memory_space<vmem>>) dst(%dma_wait3A_154 : memref<32x2048xf32, #tpu.memory_space<hbm>>)
      tpu.yield
    }) : () -> ()
    %add3A_35 = arith.constant 32 : i32
    %add3A_36 = arith.addi %add3A, %add3A_35 : i32
    %mul3A_37 = arith.constant 32 : i32
    %mul3A_38 = arith.muli %add3A_36, %mul3A_37 : i32
    %broadcast_in_dim3A_39 = arith.constant 0 : i32
    %broadcast_in_dim3A_40 = vector.broadcast %broadcast_in_dim3A_39 : i32 to vector<16xi32>
    %add3A_41 = vector.broadcast %add3A_36 : i32 to vector<16xi32>
    %add3A_42 = arith.addi %broadcast_in_dim3A_40, %add3A_41 : vector<16xi32>
    %gather3A_43 = tpu.vector_load_idx %arg16[%add3A_42] : memref<72xi32, #tpu.memory_space<vmem>>[vector<16xi32>], vector<16xi32>,
    %reduce_max3A_44 = arith.constant true
    %reduce_max3A_45 = vector.broadcast %reduce_max3A_44 : i1 to vector<16xi1>
    %reduce_max3A_46 = arith.constant -2147483648 : i32
    %reduce_max3A_47 = vector.broadcast %reduce_max3A_46 : i32 to vector<16xi32>
    %reduce_max3A_48 = arith.xori %gather3A_43, %reduce_max3A_47 : vector<16xi32>
    %reduce_max3A_49 = tpu.scan <max>, %reduce_max3A_48 masked %reduce_max3A_45 : vector<16xi32>, vector<16xi1> -> vector<16xi32>
    %reduce_max3A_50 = arith.xori %reduce_max3A_49, %reduce_max3A_47 : vector<16xi32>
    %reduce_max3A_51 = vector.extract %reduce_max3A_50[15] : i32 from vector<16xi32>
    %and3A_52 = arith.constant -16 : i32
    %and3A_53 = arith.andi %reduce_max3A_51, %and3A_52 : i32
    %multiple_of3A_54 = tpu.assume_multiple %and3A_53, 16 : i32
    "tpu.region"() ({
      %run_scoped3A = tpu.sem_alloc : memref<!tpu.dma_semaphore, #tpu.memory_space<semaphore_mem>>
      %dma_start3A = tpu.memref_slice %arg2[%multiple_of3A_54] : memref<41732xi32, #tpu.memory_space<hbm>> -> memref<4096xi32, #tpu.memory_space<hbm>>
      %dma_start3A_149 = tpu.memref_slice %arg2[%multiple_of3A_54] : memref<41732xi32, #tpu.memory_space<hbm>> -> memref<4096xi32, #tpu.memory_space<hbm>>
      tpu.enqueue_dma source(%dma_start3A_149 : memref<4096xi32, #tpu.memory_space<hbm>>) target(%arg13 : memref<4096xi32, #tpu.memory_space<vmem>>) target_semaphore(%run_scoped3A : memref<!tpu.dma_semaphore, #tpu.memory_space<semaphore_mem>>)
      %dma_wait3A = tpu.memref_slice %arg2[%multiple_of3A_54] : memref<41732xi32, #tpu.memory_space<hbm>> -> memref<4096xi32, #tpu.memory_space<hbm>>
      %dma_wait3A_150 = tpu.memref_slice %arg2[%multiple_of3A_54] : memref<41732xi32, #tpu.memory_space<hbm>> -> memref<4096xi32, #tpu.memory_space<hbm>>
      tpu.wait_dma2 semaphore(%run_scoped3A : memref<!tpu.dma_semaphore, #tpu.memory_space<semaphore_mem>>) src(%dma_wait3A_150 : memref<4096xi32, #tpu.memory_space<hbm>>) dst(%arg13 : memref<4096xi32, #tpu.memory_space<vmem>>)
      tpu.yield
    }) : () -> ()
    "tpu.region"() ({
      %run_scoped3A = tpu.sem_alloc : memref<!tpu.dma_semaphore, #tpu.memory_space<semaphore_mem>>
      %dma_start3A = tpu.memref_slice %arg3[%multiple_of3A_54] : memref<41732xi32, #tpu.memory_space<hbm>> -> memref<4096xi32, #tpu.memory_space<hbm>>
      %dma_start3A_149 = tpu.memref_slice %arg3[%multiple_of3A_54] : memref<41732xi32, #tpu.memory_space<hbm>> -> memref<4096xi32, #tpu.memory_space<hbm>>
      tpu.enqueue_dma source(%dma_start3A_149 : memref<4096xi32, #tpu.memory_space<hbm>>) target(%arg14 : memref<4096xi32, #tpu.memory_space<vmem>>) target_semaphore(%run_scoped3A : memref<!tpu.dma_semaphore, #tpu.memory_space<semaphore_mem>>)
      %dma_wait3A = tpu.memref_slice %arg3[%multiple_of3A_54] : memref<41732xi32, #tpu.memory_space<hbm>> -> memref<4096xi32, #tpu.memory_space<hbm>>
      %dma_wait3A_150 = tpu.memref_slice %arg3[%multiple_of3A_54] : memref<41732xi32, #tpu.memory_space<hbm>> -> memref<4096xi32, #tpu.memory_space<hbm>>
      tpu.wait_dma2 semaphore(%run_scoped3A : memref<!tpu.dma_semaphore, #tpu.memory_space<semaphore_mem>>) src(%dma_wait3A_150 : memref<4096xi32, #tpu.memory_space<hbm>>) dst(%arg14 : memref<4096xi32, #tpu.memory_space<vmem>>)
      tpu.yield
    }) : () -> ()
    "tpu.region"() ({
      %run_scoped3A = tpu.sem_alloc : memref<!tpu.dma_semaphore, #tpu.memory_space<semaphore_mem>>
      %dma_start3A = tpu.memref_slice %arg4[%multiple_of3A_54] : memref<41732xf32, #tpu.memory_space<hbm>> -> memref<4096xf32, #tpu.memory_space<hbm>>
      %dma_start3A_149 = tpu.memref_slice %arg4[%multiple_of3A_54] : memref<41732xf32, #tpu.memory_space<hbm>> -> memref<4096xf32, #tpu.memory_space<hbm>>
      tpu.enqueue_dma source(%dma_start3A_149 : memref<4096xf32, #tpu.memory_space<hbm>>) target(%arg15 : memref<4096xf32, #tpu.memory_space<vmem>>) target_semaphore(%run_scoped3A : memref<!tpu.dma_semaphore, #tpu.memory_space<semaphore_mem>>)
      %dma_wait3A = tpu.memref_slice %arg4[%multiple_of3A_54] : memref<41732xf32, #tpu.memory_space<hbm>> -> memref<4096xf32, #tpu.memory_space<hbm>>
      %dma_wait3A_150 = tpu.memref_slice %arg4[%multiple_of3A_54] : memref<41732xf32, #tpu.memory_space<hbm>> -> memref<4096xf32, #tpu.memory_space<hbm>>
      tpu.wait_dma2 semaphore(%run_scoped3A : memref<!tpu.dma_semaphore, #tpu.memory_space<semaphore_mem>>) src(%dma_wait3A_150 : memref<4096xf32, #tpu.memory_space<hbm>>) dst(%arg15 : memref<4096xf32, #tpu.memory_space<vmem>>)
      tpu.yield
    }) : () -> ()
    %scan3A_55 = arith.constant 0 : i32
    %scan3A_56 = arith.constant 0 : i32
    %scan3A_57 = arith.constant 32 : i32
    %scan3A_58 = arith.addi %scan3A_56, %scan3A_57 : i32
    %scan3A_59 = arith.constant 1 : i32
    %scan3A_60 = scf.for %scan3A_149 = %scan3A_56 to %scan3A_58 step %scan3A_59 iter_args(%scan3A_150 = %scan3A_55) -> (i32)  : i32 {
      %scan3A_151 = arith.constant 0 : i32
      %scan3A_152 = arith.constant 0 : i32
      %scan3A_153 = arith.constant 128 : i32
      %scan3A_154 = arith.addi %scan3A_152, %scan3A_153 : i32
      %scan3A_155 = arith.constant 1 : i32
      %scan3A_156 = scf.for %scan3A_159 = %scan3A_152 to %scan3A_154 step %scan3A_155 iter_args(%scan3A_160 = %scan3A_151) -> (i32)  : i32 {
        %mul3A_161 = arith.constant 16 : i32
        %mul3A_162 = arith.muli %scan3A_159, %mul3A_161 : i32
        %swap3A = arith.index_cast %scan3A_149 : i32 to index
        %swap3A_163 = arith.index_cast %mul3A_162 : i32 to index
        %swap3A_164 = tpu.vector_load %arg12[%swap3A, %swap3A_163] {strides = array<i32>} : memref<32x2048xf32, #tpu.memory_space<vmem>>, vector<16xf32>,
        tpu.vector_store %arg12[%swap3A, %swap3A_163], %broadcast_in_dim3A_1 {strides = array<i32>} : memref<32x2048xf32, #tpu.memory_space<vmem>>, vector<16xf32>,
        %scan3A_165 = arith.constant 0 : i32
        scf.yield %scan3A_165 : i32
      }
      %scan3A_157 = arith.constant 128 : i32
      %scan3A_158 = arith.constant 0 : i32
      scf.yield %scan3A_158 : i32
    }
    %scan3A_61 = arith.constant 32 : i32
    %broadcast_in_dim3A_62 = arith.constant 0 : i32
    %broadcast_in_dim3A_63 = vector.broadcast %broadcast_in_dim3A_62 : i32 to vector<16xi32>
    %add3A_64 = vector.broadcast %mul3A_38 : i32 to vector<16xi32>
    %add3A_65 = arith.addi %broadcast_in_dim3A_63, %add3A_64 : vector<16xi32>
    %scan3A_66 = arith.constant 0 : i32
    %scan3A_67 = arith.constant 0 : i32
    %scan3A_68 = arith.constant 256 : i32
    %scan3A_69 = arith.addi %scan3A_67, %scan3A_68 : i32
    %scan3A_70 = arith.constant 1 : i32
    %scan3A_71 = scf.for %scan3A_149 = %scan3A_67 to %scan3A_69 step %scan3A_70 iter_args(%scan3A_150 = %scan3A_66) -> (i32)  : i32 {
      %mul3A_151 = arith.constant 16 : i32
      %mul3A_152 = arith.muli %scan3A_149, %mul3A_151 : i32
      %get3A = arith.index_cast %mul3A_152 : i32 to index
      %get3A_153 = tpu.vector_load %arg13[%get3A] {strides = array<i32>} : memref<4096xi32, #tpu.memory_space<vmem>>, vector<16xi32>,
      %mul3A_154 = arith.constant 16 : i32
      %mul3A_155 = arith.muli %scan3A_149, %mul3A_154 : i32
      %get3A_156 = arith.index_cast %mul3A_155 : i32 to index
      %get3A_157 = tpu.vector_load %arg14[%get3A_156] {strides = array<i32>} : memref<4096xi32, #tpu.memory_space<vmem>>, vector<16xi32>,
      %mul3A_158 = arith.constant 16 : i32
      %mul3A_159 = arith.muli %scan3A_149, %mul3A_158 : i32
      %get3A_160 = arith.index_cast %mul3A_159 : i32 to index
      %get3A_161 = tpu.vector_load %arg15[%get3A_160] {strides = array<i32>} : memref<4096xf32, #tpu.memory_space<vmem>>, vector<16xf32>,
      %ge3A = vector.broadcast %mul3A_38 : i32 to vector<16xi32>
      %ge3A_162 = arith.cmpi sge, %get3A_153, %ge3A : vector<16xi32>
      %add3A_163 = arith.constant 32 : i32
      %add3A_164 = arith.addi %mul3A_38, %add3A_163 : i32
      %lt3A = vector.broadcast %add3A_164 : i32 to vector<16xi32>
      %lt3A_165 = arith.cmpi slt, %get3A_153, %lt3A : vector<16xi32>
      %and3A_166 = arith.andi %ge3A_162, %lt3A_165 : vector<16xi1>
      %sub3A = arith.subi %get3A_153, %add3A_65 : vector<16xi32>
      tpu.vector_store_idx %arg12[%sub3A, %get3A_157], %get3A_161 masked %and3A_166 : memref<32x2048xf32, #tpu.memory_space<vmem>>[vector<16xi32>, vector<16xi32>], vector<16xf32>, vector<16xi1>
      %scan3A_167 = arith.constant 0 : i32
      scf.yield %scan3A_167 : i32
    }
    %scan3A_72 = arith.constant 256 : i32
    "tpu.region"() ({
      %run_scoped3A = tpu.sem_alloc : memref<!tpu.dma_semaphore, #tpu.memory_space<semaphore_mem>>
      %dma_start3A = arith.constant 0 : i32
      %dma_start3A_149 = tpu.memref_slice %arg10[%mul3A_38, %dma_start3A] : memref<2048x2048xf32, #tpu.memory_space<hbm>> -> memref<32x2048xf32, #tpu.memory_space<hbm>>
      %dma_start3A_150 = arith.constant 0 : i32
      %dma_start3A_151 = tpu.memref_slice %arg10[%mul3A_38, %dma_start3A_150] : memref<2048x2048xf32, #tpu.memory_space<hbm>> -> memref<32x2048xf32, #tpu.memory_space<hbm>>
      tpu.enqueue_dma source(%arg12 : memref<32x2048xf32, #tpu.memory_space<vmem>>) target(%dma_start3A_151 : memref<32x2048xf32, #tpu.memory_space<hbm>>) target_semaphore(%run_scoped3A : memref<!tpu.dma_semaphore, #tpu.memory_space<semaphore_mem>>)
      %dma_wait3A = arith.constant 0 : i32
      %dma_wait3A_152 = tpu.memref_slice %arg10[%mul3A_38, %dma_wait3A] : memref<2048x2048xf32, #tpu.memory_space<hbm>> -> memref<32x2048xf32, #tpu.memory_space<hbm>>
      %dma_wait3A_153 = arith.constant 0 : i32
      %dma_wait3A_154 = tpu.memref_slice %arg10[%mul3A_38, %dma_wait3A_153] : memref<2048x2048xf32, #tpu.memory_space<hbm>> -> memref<32x2048xf32, #tpu.memory_space<hbm>>
      tpu.wait_dma2 semaphore(%run_scoped3A : memref<!tpu.dma_semaphore, #tpu.memory_space<semaphore_mem>>) src(%arg12 : memref<32x2048xf32, #tpu.memory_space<vmem>>) dst(%dma_wait3A_154 : memref<32x2048xf32, #tpu.memory_space<hbm>>)
      tpu.yield
    }) : () -> ()
    "tpu.region"() ({
      %run_scoped3A = tpu.sem_alloc : memref<!tpu.dma_semaphore, #tpu.memory_space<semaphore_mem>>
      tpu.enqueue_dma source(%arg9 : memref<72xi32, #tpu.memory_space<hbm>>) target(%arg16 : memref<72xi32, #tpu.memory_space<vmem>>) target_semaphore(%run_scoped3A : memref<!tpu.dma_semaphore, #tpu.memory_space<semaphore_mem>>)
      tpu.wait_dma2 semaphore(%run_scoped3A : memref<!tpu.dma_semaphore, #tpu.memory_space<semaphore_mem>>) src(%arg9 : memref<72xi32, #tpu.memory_space<hbm>>) dst(%arg16 : memref<72xi32, #tpu.memory_space<vmem>>)
      tpu.yield
    }) : () -> ()
    %add3A_73 = arith.constant 0 : i32
    %add3A_74 = arith.addi %add3A, %add3A_73 : i32
    %mul3A_75 = arith.constant 32 : i32
    %mul3A_76 = arith.muli %add3A_74, %mul3A_75 : i32
    %broadcast_in_dim3A_77 = arith.constant 0 : i32
    %broadcast_in_dim3A_78 = vector.broadcast %broadcast_in_dim3A_77 : i32 to vector<16xi32>
    %add3A_79 = vector.broadcast %add3A_74 : i32 to vector<16xi32>
    %add3A_80 = arith.addi %broadcast_in_dim3A_78, %add3A_79 : vector<16xi32>
    %gather3A_81 = tpu.vector_load_idx %arg16[%add3A_80] : memref<72xi32, #tpu.memory_space<vmem>>[vector<16xi32>], vector<16xi32>,
    %reduce_max3A_82 = arith.constant true
    %reduce_max3A_83 = vector.broadcast %reduce_max3A_82 : i1 to vector<16xi1>
    %reduce_max3A_84 = arith.constant -2147483648 : i32
    %reduce_max3A_85 = vector.broadcast %reduce_max3A_84 : i32 to vector<16xi32>
    %reduce_max3A_86 = arith.xori %gather3A_81, %reduce_max3A_85 : vector<16xi32>
    %reduce_max3A_87 = tpu.scan <max>, %reduce_max3A_86 masked %reduce_max3A_83 : vector<16xi32>, vector<16xi1> -> vector<16xi32>
    %reduce_max3A_88 = arith.xori %reduce_max3A_87, %reduce_max3A_85 : vector<16xi32>
    %reduce_max3A_89 = vector.extract %reduce_max3A_88[15] : i32 from vector<16xi32>
    %and3A_90 = arith.constant -16 : i32
    %and3A_91 = arith.andi %reduce_max3A_89, %and3A_90 : i32
    %multiple_of3A_92 = tpu.assume_multiple %and3A_91, 16 : i32
    "tpu.region"() ({
      %run_scoped3A = tpu.sem_alloc : memref<!tpu.dma_semaphore, #tpu.memory_space<semaphore_mem>>
      %dma_start3A = tpu.memref_slice %arg5[%multiple_of3A_92] : memref<41732xi32, #tpu.memory_space<hbm>> -> memref<4096xi32, #tpu.memory_space<hbm>>
      %dma_start3A_149 = tpu.memref_slice %arg5[%multiple_of3A_92] : memref<41732xi32, #tpu.memory_space<hbm>> -> memref<4096xi32, #tpu.memory_space<hbm>>
      tpu.enqueue_dma source(%dma_start3A_149 : memref<4096xi32, #tpu.memory_space<hbm>>) target(%arg13 : memref<4096xi32, #tpu.memory_space<vmem>>) target_semaphore(%run_scoped3A : memref<!tpu.dma_semaphore, #tpu.memory_space<semaphore_mem>>)
      %dma_wait3A = tpu.memref_slice %arg5[%multiple_of3A_92] : memref<41732xi32, #tpu.memory_space<hbm>> -> memref<4096xi32, #tpu.memory_space<hbm>>
      %dma_wait3A_150 = tpu.memref_slice %arg5[%multiple_of3A_92] : memref<41732xi32, #tpu.memory_space<hbm>> -> memref<4096xi32, #tpu.memory_space<hbm>>
      tpu.wait_dma2 semaphore(%run_scoped3A : memref<!tpu.dma_semaphore, #tpu.memory_space<semaphore_mem>>) src(%dma_wait3A_150 : memref<4096xi32, #tpu.memory_space<hbm>>) dst(%arg13 : memref<4096xi32, #tpu.memory_space<vmem>>)
      tpu.yield
    }) : () -> ()
    "tpu.region"() ({
      %run_scoped3A = tpu.sem_alloc : memref<!tpu.dma_semaphore, #tpu.memory_space<semaphore_mem>>
      %dma_start3A = tpu.memref_slice %arg6[%multiple_of3A_92] : memref<41732xi32, #tpu.memory_space<hbm>> -> memref<4096xi32, #tpu.memory_space<hbm>>
      %dma_start3A_149 = tpu.memref_slice %arg6[%multiple_of3A_92] : memref<41732xi32, #tpu.memory_space<hbm>> -> memref<4096xi32, #tpu.memory_space<hbm>>
      tpu.enqueue_dma source(%dma_start3A_149 : memref<4096xi32, #tpu.memory_space<hbm>>) target(%arg14 : memref<4096xi32, #tpu.memory_space<vmem>>) target_semaphore(%run_scoped3A : memref<!tpu.dma_semaphore, #tpu.memory_space<semaphore_mem>>)
      %dma_wait3A = tpu.memref_slice %arg6[%multiple_of3A_92] : memref<41732xi32, #tpu.memory_space<hbm>> -> memref<4096xi32, #tpu.memory_space<hbm>>
      %dma_wait3A_150 = tpu.memref_slice %arg6[%multiple_of3A_92] : memref<41732xi32, #tpu.memory_space<hbm>> -> memref<4096xi32, #tpu.memory_space<hbm>>
      tpu.wait_dma2 semaphore(%run_scoped3A : memref<!tpu.dma_semaphore, #tpu.memory_space<semaphore_mem>>) src(%dma_wait3A_150 : memref<4096xi32, #tpu.memory_space<hbm>>) dst(%arg14 : memref<4096xi32, #tpu.memory_space<vmem>>)
      tpu.yield
    }) : () -> ()
    "tpu.region"() ({
      %run_scoped3A = tpu.sem_alloc : memref<!tpu.dma_semaphore, #tpu.memory_space<semaphore_mem>>
      %dma_start3A = tpu.memref_slice %arg7[%multiple_of3A_92] : memref<41732xf32, #tpu.memory_space<hbm>> -> memref<4096xf32, #tpu.memory_space<hbm>>
      %dma_start3A_149 = tpu.memref_slice %arg7[%multiple_of3A_92] : memref<41732xf32, #tpu.memory_space<hbm>> -> memref<4096xf32, #tpu.memory_space<hbm>>
      tpu.enqueue_dma source(%dma_start3A_149 : memref<4096xf32, #tpu.memory_space<hbm>>) target(%arg15 : memref<4096xf32, #tpu.memory_space<vmem>>) target_semaphore(%run_scoped3A : memref<!tpu.dma_semaphore, #tpu.memory_space<semaphore_mem>>)
      %dma_wait3A = tpu.memref_slice %arg7[%multiple_of3A_92] : memref<41732xf32, #tpu.memory_space<hbm>> -> memref<4096xf32, #tpu.memory_space<hbm>>
      %dma_wait3A_150 = tpu.memref_slice %arg7[%multiple_of3A_92] : memref<41732xf32, #tpu.memory_space<hbm>> -> memref<4096xf32, #tpu.memory_space<hbm>>
      tpu.wait_dma2 semaphore(%run_scoped3A : memref<!tpu.dma_semaphore, #tpu.memory_space<semaphore_mem>>) src(%dma_wait3A_150 : memref<4096xf32, #tpu.memory_space<hbm>>) dst(%arg15 : memref<4096xf32, #tpu.memory_space<vmem>>)
      tpu.yield
    }) : () -> ()
    %scan3A_93 = arith.constant 0 : i32
    %scan3A_94 = arith.constant 0 : i32
    %scan3A_95 = arith.constant 32 : i32
    %scan3A_96 = arith.addi %scan3A_94, %scan3A_95 : i32
    %scan3A_97 = arith.constant 1 : i32
    %scan3A_98 = scf.for %scan3A_149 = %scan3A_94 to %scan3A_96 step %scan3A_97 iter_args(%scan3A_150 = %scan3A_93) -> (i32)  : i32 {
      %scan3A_151 = arith.constant 0 : i32
      %scan3A_152 = arith.constant 0 : i32
      %scan3A_153 = arith.constant 128 : i32
      %scan3A_154 = arith.addi %scan3A_152, %scan3A_153 : i32
      %scan3A_155 = arith.constant 1 : i32
      %scan3A_156 = scf.for %scan3A_159 = %scan3A_152 to %scan3A_154 step %scan3A_155 iter_args(%scan3A_160 = %scan3A_151) -> (i32)  : i32 {
        %mul3A_161 = arith.constant 16 : i32
        %mul3A_162 = arith.muli %scan3A_159, %mul3A_161 : i32
        %swap3A = arith.index_cast %scan3A_149 : i32 to index
        %swap3A_163 = arith.index_cast %mul3A_162 : i32 to index
        %swap3A_164 = tpu.vector_load %arg12[%swap3A, %swap3A_163] {strides = array<i32>} : memref<32x2048xf32, #tpu.memory_space<vmem>>, vector<16xf32>,
        tpu.vector_store %arg12[%swap3A, %swap3A_163], %broadcast_in_dim3A_1 {strides = array<i32>} : memref<32x2048xf32, #tpu.memory_space<vmem>>, vector<16xf32>,
        %scan3A_165 = arith.constant 0 : i32
        scf.yield %scan3A_165 : i32
      }
      %scan3A_157 = arith.constant 128 : i32
      %scan3A_158 = arith.constant 0 : i32
      scf.yield %scan3A_158 : i32
    }
    %scan3A_99 = arith.constant 32 : i32
    %broadcast_in_dim3A_100 = arith.constant 0 : i32
    %broadcast_in_dim3A_101 = vector.broadcast %broadcast_in_dim3A_100 : i32 to vector<16xi32>
    %add3A_102 = vector.broadcast %mul3A_76 : i32 to vector<16xi32>
    %add3A_103 = arith.addi %broadcast_in_dim3A_101, %add3A_102 : vector<16xi32>
    %scan3A_104 = arith.constant 0 : i32
    %scan3A_105 = arith.constant 0 : i32
    %scan3A_106 = arith.constant 256 : i32
    %scan3A_107 = arith.addi %scan3A_105, %scan3A_106 : i32
    %scan3A_108 = arith.constant 1 : i32
    %scan3A_109 = scf.for %scan3A_149 = %scan3A_105 to %scan3A_107 step %scan3A_108 iter_args(%scan3A_150 = %scan3A_104) -> (i32)  : i32 {
      %mul3A_151 = arith.constant 16 : i32
      %mul3A_152 = arith.muli %scan3A_149, %mul3A_151 : i32
      %get3A = arith.index_cast %mul3A_152 : i32 to index
      %get3A_153 = tpu.vector_load %arg13[%get3A] {strides = array<i32>} : memref<4096xi32, #tpu.memory_space<vmem>>, vector<16xi32>,
      %mul3A_154 = arith.constant 16 : i32
      %mul3A_155 = arith.muli %scan3A_149, %mul3A_154 : i32
      %get3A_156 = arith.index_cast %mul3A_155 : i32 to index
      %get3A_157 = tpu.vector_load %arg14[%get3A_156] {strides = array<i32>} : memref<4096xi32, #tpu.memory_space<vmem>>, vector<16xi32>,
      %mul3A_158 = arith.constant 16 : i32
      %mul3A_159 = arith.muli %scan3A_149, %mul3A_158 : i32
      %get3A_160 = arith.index_cast %mul3A_159 : i32 to index
      %get3A_161 = tpu.vector_load %arg15[%get3A_160] {strides = array<i32>} : memref<4096xf32, #tpu.memory_space<vmem>>, vector<16xf32>,
      %ge3A = vector.broadcast %mul3A_76 : i32 to vector<16xi32>
      %ge3A_162 = arith.cmpi sge, %get3A_153, %ge3A : vector<16xi32>
      %add3A_163 = arith.constant 32 : i32
      %add3A_164 = arith.addi %mul3A_76, %add3A_163 : i32
      %lt3A = vector.broadcast %add3A_164 : i32 to vector<16xi32>
      %lt3A_165 = arith.cmpi slt, %get3A_153, %lt3A : vector<16xi32>
      %and3A_166 = arith.andi %ge3A_162, %lt3A_165 : vector<16xi1>
      %sub3A = arith.subi %get3A_153, %add3A_103 : vector<16xi32>
      tpu.vector_store_idx %arg12[%sub3A, %get3A_157], %get3A_161 masked %and3A_166 : memref<32x2048xf32, #tpu.memory_space<vmem>>[vector<16xi32>, vector<16xi32>], vector<16xf32>, vector<16xi1>
      %scan3A_167 = arith.constant 0 : i32
      scf.yield %scan3A_167 : i32
    }
    %scan3A_110 = arith.constant 256 : i32
    "tpu.region"() ({
      %run_scoped3A = tpu.sem_alloc : memref<!tpu.dma_semaphore, #tpu.memory_space<semaphore_mem>>
      %dma_start3A = arith.constant 0 : i32
      %dma_start3A_149 = tpu.memref_slice %arg11[%mul3A_76, %dma_start3A] : memref<2048x2048xf32, #tpu.memory_space<hbm>> -> memref<32x2048xf32, #tpu.memory_space<hbm>>
      %dma_start3A_150 = arith.constant 0 : i32
      %dma_start3A_151 = tpu.memref_slice %arg11[%mul3A_76, %dma_start3A_150] : memref<2048x2048xf32, #tpu.memory_space<hbm>> -> memref<32x2048xf32, #tpu.memory_space<hbm>>
      tpu.enqueue_dma source(%arg12 : memref<32x2048xf32, #tpu.memory_space<vmem>>) target(%dma_start3A_151 : memref<32x2048xf32, #tpu.memory_space<hbm>>) target_semaphore(%run_scoped3A : memref<!tpu.dma_semaphore, #tpu.memory_space<semaphore_mem>>)
      %dma_wait3A = arith.constant 0 : i32
      %dma_wait3A_152 = tpu.memref_slice %arg11[%mul3A_76, %dma_wait3A] : memref<2048x2048xf32, #tpu.memory_space<hbm>> -> memref<32x2048xf32, #tpu.memory_space<hbm>>
      %dma_wait3A_153 = arith.constant 0 : i32
      %dma_wait3A_154 = tpu.memref_slice %arg11[%mul3A_76, %dma_wait3A_153] : memref<2048x2048xf32, #tpu.memory_space<hbm>> -> memref<32x2048xf32, #tpu.memory_space<hbm>>
      tpu.wait_dma2 semaphore(%run_scoped3A : memref<!tpu.dma_semaphore, #tpu.memory_space<semaphore_mem>>) src(%arg12 : memref<32x2048xf32, #tpu.memory_space<vmem>>) dst(%dma_wait3A_154 : memref<32x2048xf32, #tpu.memory_space<hbm>>)
      tpu.yield
    }) : () -> ()
    %add3A_111 = arith.constant 32 : i32
    %add3A_112 = arith.addi %add3A, %add3A_111 : i32
    %mul3A_113 = arith.constant 32 : i32
    %mul3A_114 = arith.muli %add3A_112, %mul3A_113 : i32
    %broadcast_in_dim3A_115 = arith.constant 0 : i32
    %broadcast_in_dim3A_116 = vector.broadcast %broadcast_in_dim3A_115 : i32 to vector<16xi32>
    %add3A_117 = vector.broadcast %add3A_112 : i32 to vector<16xi32>
    %add3A_118 = arith.addi %broadcast_in_dim3A_116, %add3A_117 : vector<16xi32>
    %gather3A_119 = tpu.vector_load_idx %arg16[%add3A_118] : memref<72xi32, #tpu.memory_space<vmem>>[vector<16xi32>], vector<16xi32>,
    %reduce_max3A_120 = arith.constant true
    %reduce_max3A_121 = vector.broadcast %reduce_max3A_120 : i1 to vector<16xi1>
    %reduce_max3A_122 = arith.constant -2147483648 : i32
    %reduce_max3A_123 = vector.broadcast %reduce_max3A_122 : i32 to vector<16xi32>
    %reduce_max3A_124 = arith.xori %gather3A_119, %reduce_max3A_123 : vector<16xi32>
    %reduce_max3A_125 = tpu.scan <max>, %reduce_max3A_124 masked %reduce_max3A_121 : vector<16xi32>, vector<16xi1> -> vector<16xi32>
    %reduce_max3A_126 = arith.xori %reduce_max3A_125, %reduce_max3A_123 : vector<16xi32>
    %reduce_max3A_127 = vector.extract %reduce_max3A_126[15] : i32 from vector<16xi32>
    %and3A_128 = arith.constant -16 : i32
    %and3A_129 = arith.andi %reduce_max3A_127, %and3A_128 : i32
    %multiple_of3A_130 = tpu.assume_multiple %and3A_129, 16 : i32
    "tpu.region"() ({
      %run_scoped3A = tpu.sem_alloc : memref<!tpu.dma_semaphore, #tpu.memory_space<semaphore_mem>>
      %dma_start3A = tpu.memref_slice %arg5[%multiple_of3A_130] : memref<41732xi32, #tpu.memory_space<hbm>> -> memref<4096xi32, #tpu.memory_space<hbm>>
      %dma_start3A_149 = tpu.memref_slice %arg5[%multiple_of3A_130] : memref<41732xi32, #tpu.memory_space<hbm>> -> memref<4096xi32, #tpu.memory_space<hbm>>
      tpu.enqueue_dma source(%dma_start3A_149 : memref<4096xi32, #tpu.memory_space<hbm>>) target(%arg13 : memref<4096xi32, #tpu.memory_space<vmem>>) target_semaphore(%run_scoped3A : memref<!tpu.dma_semaphore, #tpu.memory_space<semaphore_mem>>)
      %dma_wait3A = tpu.memref_slice %arg5[%multiple_of3A_130] : memref<41732xi32, #tpu.memory_space<hbm>> -> memref<4096xi32, #tpu.memory_space<hbm>>
      %dma_wait3A_150 = tpu.memref_slice %arg5[%multiple_of3A_130] : memref<41732xi32, #tpu.memory_space<hbm>> -> memref<4096xi32, #tpu.memory_space<hbm>>
      tpu.wait_dma2 semaphore(%run_scoped3A : memref<!tpu.dma_semaphore, #tpu.memory_space<semaphore_mem>>) src(%dma_wait3A_150 : memref<4096xi32, #tpu.memory_space<hbm>>) dst(%arg13 : memref<4096xi32, #tpu.memory_space<vmem>>)
      tpu.yield
    }) : () -> ()
    "tpu.region"() ({
      %run_scoped3A = tpu.sem_alloc : memref<!tpu.dma_semaphore, #tpu.memory_space<semaphore_mem>>
      %dma_start3A = tpu.memref_slice %arg6[%multiple_of3A_130] : memref<41732xi32, #tpu.memory_space<hbm>> -> memref<4096xi32, #tpu.memory_space<hbm>>
      %dma_start3A_149 = tpu.memref_slice %arg6[%multiple_of3A_130] : memref<41732xi32, #tpu.memory_space<hbm>> -> memref<4096xi32, #tpu.memory_space<hbm>>
      tpu.enqueue_dma source(%dma_start3A_149 : memref<4096xi32, #tpu.memory_space<hbm>>) target(%arg14 : memref<4096xi32, #tpu.memory_space<vmem>>) target_semaphore(%run_scoped3A : memref<!tpu.dma_semaphore, #tpu.memory_space<semaphore_mem>>)
      %dma_wait3A = tpu.memref_slice %arg6[%multiple_of3A_130] : memref<41732xi32, #tpu.memory_space<hbm>> -> memref<4096xi32, #tpu.memory_space<hbm>>
      %dma_wait3A_150 = tpu.memref_slice %arg6[%multiple_of3A_130] : memref<41732xi32, #tpu.memory_space<hbm>> -> memref<4096xi32, #tpu.memory_space<hbm>>
      tpu.wait_dma2 semaphore(%run_scoped3A : memref<!tpu.dma_semaphore, #tpu.memory_space<semaphore_mem>>) src(%dma_wait3A_150 : memref<4096xi32, #tpu.memory_space<hbm>>) dst(%arg14 : memref<4096xi32, #tpu.memory_space<vmem>>)
      tpu.yield
    }) : () -> ()
    "tpu.region"() ({
      %run_scoped3A = tpu.sem_alloc : memref<!tpu.dma_semaphore, #tpu.memory_space<semaphore_mem>>
      %dma_start3A = tpu.memref_slice %arg7[%multiple_of3A_130] : memref<41732xf32, #tpu.memory_space<hbm>> -> memref<4096xf32, #tpu.memory_space<hbm>>
      %dma_start3A_149 = tpu.memref_slice %arg7[%multiple_of3A_130] : memref<41732xf32, #tpu.memory_space<hbm>> -> memref<4096xf32, #tpu.memory_space<hbm>>
      tpu.enqueue_dma source(%dma_start3A_149 : memref<4096xf32, #tpu.memory_space<hbm>>) target(%arg15 : memref<4096xf32, #tpu.memory_space<vmem>>) target_semaphore(%run_scoped3A : memref<!tpu.dma_semaphore, #tpu.memory_space<semaphore_mem>>)
      %dma_wait3A = tpu.memref_slice %arg7[%multiple_of3A_130] : memref<41732xf32, #tpu.memory_space<hbm>> -> memref<4096xf32, #tpu.memory_space<hbm>>
      %dma_wait3A_150 = tpu.memref_slice %arg7[%multiple_of3A_130] : memref<41732xf32, #tpu.memory_space<hbm>> -> memref<4096xf32, #tpu.memory_space<hbm>>
      tpu.wait_dma2 semaphore(%run_scoped3A : memref<!tpu.dma_semaphore, #tpu.memory_space<semaphore_mem>>) src(%dma_wait3A_150 : memref<4096xf32, #tpu.memory_space<hbm>>) dst(%arg15 : memref<4096xf32, #tpu.memory_space<vmem>>)
      tpu.yield
    }) : () -> ()
    %scan3A_131 = arith.constant 0 : i32
    %scan3A_132 = arith.constant 0 : i32
    %scan3A_133 = arith.constant 32 : i32
    %scan3A_134 = arith.addi %scan3A_132, %scan3A_133 : i32
    %scan3A_135 = arith.constant 1 : i32
    %scan3A_136 = scf.for %scan3A_149 = %scan3A_132 to %scan3A_134 step %scan3A_135 iter_args(%scan3A_150 = %scan3A_131) -> (i32)  : i32 {
      %scan3A_151 = arith.constant 0 : i32
      %scan3A_152 = arith.constant 0 : i32
      %scan3A_153 = arith.constant 128 : i32
      %scan3A_154 = arith.addi %scan3A_152, %scan3A_153 : i32
      %scan3A_155 = arith.constant 1 : i32
      %scan3A_156 = scf.for %scan3A_159 = %scan3A_152 to %scan3A_154 step %scan3A_155 iter_args(%scan3A_160 = %scan3A_151) -> (i32)  : i32 {
        %mul3A_161 = arith.constant 16 : i32
        %mul3A_162 = arith.muli %scan3A_159, %mul3A_161 : i32
        %swap3A = arith.index_cast %scan3A_149 : i32 to index
        %swap3A_163 = arith.index_cast %mul3A_162 : i32 to index
        %swap3A_164 = tpu.vector_load %arg12[%swap3A, %swap3A_163] {strides = array<i32>} : memref<32x2048xf32, #tpu.memory_space<vmem>>, vector<16xf32>,
        tpu.vector_store %arg12[%swap3A, %swap3A_163], %broadcast_in_dim3A_1 {strides = array<i32>} : memref<32x2048xf32, #tpu.memory_space<vmem>>, vector<16xf32>,
        %scan3A_165 = arith.constant 0 : i32
        scf.yield %scan3A_165 : i32
      }
      %scan3A_157 = arith.constant 128 : i32
      %scan3A_158 = arith.constant 0 : i32
      scf.yield %scan3A_158 : i32
    }
    %scan3A_137 = arith.constant 32 : i32
    %broadcast_in_dim3A_138 = arith.constant 0 : i32
    %broadcast_in_dim3A_139 = vector.broadcast %broadcast_in_dim3A_138 : i32 to vector<16xi32>
    %add3A_140 = vector.broadcast %mul3A_114 : i32 to vector<16xi32>
    %add3A_141 = arith.addi %broadcast_in_dim3A_139, %add3A_140 : vector<16xi32>
    %scan3A_142 = arith.constant 0 : i32
    %scan3A_143 = arith.constant 0 : i32
    %scan3A_144 = arith.constant 256 : i32
    %scan3A_145 = arith.addi %scan3A_143, %scan3A_144 : i32
    %scan3A_146 = arith.constant 1 : i32
    %scan3A_147 = scf.for %scan3A_149 = %scan3A_143 to %scan3A_145 step %scan3A_146 iter_args(%scan3A_150 = %scan3A_142) -> (i32)  : i32 {
      %mul3A_151 = arith.constant 16 : i32
      %mul3A_152 = arith.muli %scan3A_149, %mul3A_151 : i32
      %get3A = arith.index_cast %mul3A_152 : i32 to index
      %get3A_153 = tpu.vector_load %arg13[%get3A] {strides = array<i32>} : memref<4096xi32, #tpu.memory_space<vmem>>, vector<16xi32>,
      %mul3A_154 = arith.constant 16 : i32
      %mul3A_155 = arith.muli %scan3A_149, %mul3A_154 : i32
      %get3A_156 = arith.index_cast %mul3A_155 : i32 to index
      %get3A_157 = tpu.vector_load %arg14[%get3A_156] {strides = array<i32>} : memref<4096xi32, #tpu.memory_space<vmem>>, vector<16xi32>,
      %mul3A_158 = arith.constant 16 : i32
      %mul3A_159 = arith.muli %scan3A_149, %mul3A_158 : i32
      %get3A_160 = arith.index_cast %mul3A_159 : i32 to index
      %get3A_161 = tpu.vector_load %arg15[%get3A_160] {strides = array<i32>} : memref<4096xf32, #tpu.memory_space<vmem>>, vector<16xf32>,
      %ge3A = vector.broadcast %mul3A_114 : i32 to vector<16xi32>
      %ge3A_162 = arith.cmpi sge, %get3A_153, %ge3A : vector<16xi32>
      %add3A_163 = arith.constant 32 : i32
      %add3A_164 = arith.addi %mul3A_114, %add3A_163 : i32
      %lt3A = vector.broadcast %add3A_164 : i32 to vector<16xi32>
      %lt3A_165 = arith.cmpi slt, %get3A_153, %lt3A : vector<16xi32>
      %and3A_166 = arith.andi %ge3A_162, %lt3A_165 : vector<16xi1>
      %sub3A = arith.subi %get3A_153, %add3A_141 : vector<16xi32>
      tpu.vector_store_idx %arg12[%sub3A, %get3A_157], %get3A_161 masked %and3A_166 : memref<32x2048xf32, #tpu.memory_space<vmem>>[vector<16xi32>, vector<16xi32>], vector<16xf32>, vector<16xi1>
      %scan3A_167 = arith.constant 0 : i32
      scf.yield %scan3A_167 : i32
    }
    %scan3A_148 = arith.constant 256 : i32
    "tpu.region"() ({
      %run_scoped3A = tpu.sem_alloc : memref<!tpu.dma_semaphore, #tpu.memory_space<semaphore_mem>>
      %dma_start3A = arith.constant 0 : i32
      %dma_start3A_149 = tpu.memref_slice %arg11[%mul3A_114, %dma_start3A] : memref<2048x2048xf32, #tpu.memory_space<hbm>> -> memref<32x2048xf32, #tpu.memory_space<hbm>>
      %dma_start3A_150 = arith.constant 0 : i32
      %dma_start3A_151 = tpu.memref_slice %arg11[%mul3A_114, %dma_start3A_150] : memref<2048x2048xf32, #tpu.memory_space<hbm>> -> memref<32x2048xf32, #tpu.memory_space<hbm>>
      tpu.enqueue_dma source(%arg12 : memref<32x2048xf32, #tpu.memory_space<vmem>>) target(%dma_start3A_151 : memref<32x2048xf32, #tpu.memory_space<hbm>>) target_semaphore(%run_scoped3A : memref<!tpu.dma_semaphore, #tpu.memory_space<semaphore_mem>>)
      %dma_wait3A = arith.constant 0 : i32
      %dma_wait3A_152 = tpu.memref_slice %arg11[%mul3A_114, %dma_wait3A] : memref<2048x2048xf32, #tpu.memory_space<hbm>> -> memref<32x2048xf32, #tpu.memory_space<hbm>>
      %dma_wait3A_153 = arith.constant 0 : i32
      %dma_wait3A_154 = tpu.memref_slice %arg11[%mul3A_114, %dma_wait3A_153] : memref<2048x2048xf32, #tpu.memory_space<hbm>> -> memref<32x2048xf32, #tpu.memory_space<hbm>>
      tpu.wait_dma2 semaphore(%run_scoped3A : memref<!tpu.dma_semaphore, #tpu.memory_space<semaphore_mem>>) src(%arg12 : memref<32x2048xf32, #tpu.memory_space<vmem>>) dst(%dma_wait3A_154 : memref<32x2048xf32, #tpu.memory_space<hbm>>)
      tpu.yield
    }) : () -> ()
    return
  }
}

module attributes {stable_mosaic.version = 14 : i64} {
  func.func @_xi_body(%arg0: i32, %arg1: memref<2048x2048xf32, #tpu.memory_space<vmem>>, %arg2: memref<2048x2048xf32, #tpu.memory_space<vmem>>, %arg3: memref<2048x64xbf16, #tpu.memory_space<vmem>>, %arg4: memref<2048x2048xbf16, #tpu.memory_space<vmem>>, %arg5: memref<2048x2048xbf16, #tpu.memory_space<vmem>>, %arg6: memref<2048x64xbf16, #tpu.memory_space<vmem>>, %arg7: memref<2048x64xbf16, #tpu.memory_space<vmem>>, %arg8: memref<2048x64xbf16, #tpu.memory_space<vmem>>, %arg9: memref<2048x64xbf16, #tpu.memory_space<vmem>>) attributes {dimension_semantics = [#tpu.dimension_semantics<arbitrary>], iteration_bounds = array<i64: 1>, scalar_prefetch = 0 : i64, scratch_operands = 0 : i64, tpu.core_type = #tpu.core_type<tc>, window_params = [{pipeline_mode = #tpu.pipeline_mode<synchronous>, transform_indices = @transform_0, window_bounds = array<i64: 2048, 2048>}, {pipeline_mode = #tpu.pipeline_mode<synchronous>, transform_indices = @transform_1, window_bounds = array<i64: 2048, 2048>}, {pipeline_mode = #tpu.pipeline_mode<synchronous>, transform_indices = @transform_2, window_bounds = array<i64: 2048, 64>}, {pipeline_mode = #tpu.pipeline_mode<synchronous>, transform_indices = @transform_3, window_bounds = array<i64: 2048, 2048>}, {pipeline_mode = #tpu.pipeline_mode<synchronous>, transform_indices = @transform_4, window_bounds = array<i64: 2048, 2048>}, {pipeline_mode = #tpu.pipeline_mode<synchronous>, transform_indices = @transform_5, window_bounds = array<i64: 2048, 64>}, {pipeline_mode = #tpu.pipeline_mode<synchronous>, transform_indices = @transform_6, window_bounds = array<i64: 2048, 64>}, {pipeline_mode = #tpu.pipeline_mode<synchronous>, transform_indices = @transform_7, window_bounds = array<i64: 2048, 64>}, {pipeline_mode = #tpu.pipeline_mode<synchronous>, transform_indices = @transform_8, window_bounds = array<i64: 2048, 64>}]} {
    %get3A = arith.constant 0 : index
    %get3A_0 = arith.constant 0 : index
    %get3A_1 = vector.load %arg1[%get3A, %get3A_0] : memref<2048x2048xf32, #tpu.memory_space<vmem>>, vector<2048x2048xf32>
    %convert_element_type3A = arith.truncf %get3A_1 : vector<2048x2048xf32> to vector<2048x2048xbf16>
    %get3A_2 = arith.constant 0 : index
    %get3A_3 = arith.constant 0 : index
    %get3A_4 = vector.load %arg2[%get3A_2, %get3A_3] : memref<2048x2048xf32, #tpu.memory_space<vmem>>, vector<2048x2048xf32>
    %convert_element_type3A_5 = arith.truncf %get3A_4 : vector<2048x2048xf32> to vector<2048x2048xbf16>
    %swap3A = arith.constant 0 : index
    %swap3A_6 = arith.constant 0 : index
    %swap3A_7 = vector.load %arg4[%swap3A, %swap3A_6] : memref<2048x2048xbf16, #tpu.memory_space<vmem>>, vector<2048x2048xbf16>
    tpu.vector_store %arg4[%swap3A, %swap3A_6], %convert_element_type3A {strides = array<i32>} : memref<2048x2048xbf16, #tpu.memory_space<vmem>>, vector<2048x2048xbf16>,
    %swap3A_8 = arith.constant 0 : index
    %swap3A_9 = arith.constant 0 : index
    %swap3A_10 = vector.load %arg5[%swap3A_8, %swap3A_9] : memref<2048x2048xbf16, #tpu.memory_space<vmem>>, vector<2048x2048xbf16>
    tpu.vector_store %arg5[%swap3A_8, %swap3A_9], %convert_element_type3A_5 {strides = array<i32>} : memref<2048x2048xbf16, #tpu.memory_space<vmem>>, vector<2048x2048xbf16>,
    %get3A_11 = arith.constant 0 : index
    %get3A_12 = arith.constant 0 : index
    %get3A_13 = vector.load %arg3[%get3A_11, %get3A_12] : memref<2048x64xbf16, #tpu.memory_space<vmem>>, vector<2048x64xbf16>
    %dot_general3A = arith.constant dense<0.000000e+00> : vector<2048x64xf32>
    %dot_general3A_14 = tpu.matmul %convert_element_type3A, %get3A_13, %dot_general3A {dimension_numbers = #tpu.dot_dimension_numbers<[1], [0], [0], [1], [0, 0, 1, 1], [], []>, transpose_lhs_hint = false} : vector<2048x2048xbf16>, vector<2048x64xbf16>, vector<2048x64xf32> -> vector<2048x64xf32>
    %convert_element_type3A_15 = arith.truncf %dot_general3A_14 : vector<2048x64xf32> to vector<2048x64xbf16>
    %dot_general3A_16 = arith.constant dense<0.000000e+00> : vector<2048x64xf32>
    %dot_general3A_17 = tpu.matmul %convert_element_type3A, %convert_element_type3A_15, %dot_general3A_16 {dimension_numbers = #tpu.dot_dimension_numbers<[1], [0], [0], [1], [0, 0, 1, 1], [], []>, transpose_lhs_hint = false} : vector<2048x2048xbf16>, vector<2048x64xbf16>, vector<2048x64xf32> -> vector<2048x64xf32>
    %mul3A = arith.constant 2.000000e+00 : f32
    %mul3A_18 = vector.broadcast %mul3A : f32 to vector<2048x64xf32>
    %mul3A_19 = arith.mulf %mul3A_18, %dot_general3A_17 : vector<2048x64xf32>
    %convert_element_type3A_20 = arith.extf %get3A_13 : vector<2048x64xbf16> to vector<2048x64xf32>
    %sub3A = arith.subf %mul3A_19, %convert_element_type3A_20 : vector<2048x64xf32>
    %dot_general3A_21 = arith.constant dense<0.000000e+00> : vector<2048x64xf32>
    %dot_general3A_22 = tpu.matmul %convert_element_type3A_5, %convert_element_type3A_15, %dot_general3A_21 {dimension_numbers = #tpu.dot_dimension_numbers<[1], [0], [0], [1], [0, 0, 1, 1], [], []>, transpose_lhs_hint = false} : vector<2048x2048xbf16>, vector<2048x64xbf16>, vector<2048x64xf32> -> vector<2048x64xf32>
    %convert_element_type3A_23 = arith.truncf %dot_general3A_22 : vector<2048x64xf32> to vector<2048x64xbf16>
    %dot_general3A_24 = arith.constant dense<0.000000e+00> : vector<2048x64xf32>
    %dot_general3A_25 = tpu.matmul %convert_element_type3A_5, %convert_element_type3A_23, %dot_general3A_24 {dimension_numbers = #tpu.dot_dimension_numbers<[1], [0], [0], [1], [0, 0, 1, 1], [], []>, transpose_lhs_hint = false} : vector<2048x2048xbf16>, vector<2048x64xbf16>, vector<2048x64xf32> -> vector<2048x64xf32>
    %mul3A_26 = arith.constant 2.000000e+00 : f32
    %mul3A_27 = vector.broadcast %mul3A_26 : f32 to vector<2048x64xf32>
    %mul3A_28 = arith.mulf %mul3A_27, %dot_general3A_25 : vector<2048x64xf32>
    %convert_element_type3A_29 = arith.extf %convert_element_type3A_15 : vector<2048x64xbf16> to vector<2048x64xf32>
    %sub3A_30 = arith.subf %mul3A_28, %convert_element_type3A_29 : vector<2048x64xf32>
    %convert_element_type3A_31 = arith.truncf %sub3A : vector<2048x64xf32> to vector<2048x64xbf16>
    %convert_element_type3A_32 = arith.truncf %sub3A_30 : vector<2048x64xf32> to vector<2048x64xbf16>
    %swap3A_33 = arith.constant 0 : index
    %swap3A_34 = arith.constant 0 : index
    %swap3A_35 = vector.load %arg6[%swap3A_33, %swap3A_34] : memref<2048x64xbf16, #tpu.memory_space<vmem>>, vector<2048x64xbf16>
    tpu.vector_store %arg6[%swap3A_33, %swap3A_34], %convert_element_type3A_15 {strides = array<i32>} : memref<2048x64xbf16, #tpu.memory_space<vmem>>, vector<2048x64xbf16>,
    %swap3A_36 = arith.constant 0 : index
    %swap3A_37 = arith.constant 0 : index
    %swap3A_38 = vector.load %arg7[%swap3A_36, %swap3A_37] : memref<2048x64xbf16, #tpu.memory_space<vmem>>, vector<2048x64xbf16>
    tpu.vector_store %arg7[%swap3A_36, %swap3A_37], %convert_element_type3A_31 {strides = array<i32>} : memref<2048x64xbf16, #tpu.memory_space<vmem>>, vector<2048x64xbf16>,
    %swap3A_39 = arith.constant 0 : index
    %swap3A_40 = arith.constant 0 : index
    %swap3A_41 = vector.load %arg8[%swap3A_39, %swap3A_40] : memref<2048x64xbf16, #tpu.memory_space<vmem>>, vector<2048x64xbf16>
    tpu.vector_store %arg8[%swap3A_39, %swap3A_40], %convert_element_type3A_23 {strides = array<i32>} : memref<2048x64xbf16, #tpu.memory_space<vmem>>, vector<2048x64xbf16>,
    %swap3A_42 = arith.constant 0 : index
    %swap3A_43 = arith.constant 0 : index
    %swap3A_44 = vector.load %arg9[%swap3A_42, %swap3A_43] : memref<2048x64xbf16, #tpu.memory_space<vmem>>, vector<2048x64xbf16>
    tpu.vector_store %arg9[%swap3A_42, %swap3A_43], %convert_element_type3A_32 {strides = array<i32>} : memref<2048x64xbf16, #tpu.memory_space<vmem>>, vector<2048x64xbf16>,
    return
  }
  func.func @transform_0(%arg0: i32) -> (i32, i32) {
    %c0_i32 = arith.constant 0 : i32
    %c0_i32_0 = arith.constant 0 : i32
    %c0_i32_1 = arith.constant 0 : i32
    return %c0_i32, %c0_i32_0 : i32, i32
  }
  func.func @transform_1(%arg0: i32) -> (i32, i32) {
    %c0_i32 = arith.constant 0 : i32
    %c0_i32_0 = arith.constant 0 : i32
    %c0_i32_1 = arith.constant 0 : i32
    return %c0_i32, %c0_i32_0 : i32, i32
  }
  func.func @transform_2(%arg0: i32) -> (i32, i32) {
    %c0_i32 = arith.constant 0 : i32
    %c0_i32_0 = arith.constant 0 : i32
    %c0_i32_1 = arith.constant 0 : i32
    return %c0_i32, %c0_i32_0 : i32, i32
  }
  func.func @transform_3(%arg0: i32) -> (i32, i32) {
    %c0_i32 = arith.constant 0 : i32
    %c0_i32_0 = arith.constant 0 : i32
    %c0_i32_1 = arith.constant 0 : i32
    return %c0_i32, %c0_i32_0 : i32, i32
  }
  func.func @transform_4(%arg0: i32) -> (i32, i32) {
    %c0_i32 = arith.constant 0 : i32
    %c0_i32_0 = arith.constant 0 : i32
    %c0_i32_1 = arith.constant 0 : i32
    return %c0_i32, %c0_i32_0 : i32, i32
  }
  func.func @transform_5(%arg0: i32) -> (i32, i32) {
    %c0_i32 = arith.constant 0 : i32
    %c0_i32_0 = arith.constant 0 : i32
    %c0_i32_1 = arith.constant 0 : i32
    return %c0_i32, %c0_i32_0 : i32, i32
  }
  func.func @transform_6(%arg0: i32) -> (i32, i32) {
    %c0_i32 = arith.constant 0 : i32
    %c0_i32_0 = arith.constant 0 : i32
    %c0_i32_1 = arith.constant 0 : i32
    return %c0_i32, %c0_i32_0 : i32, i32
  }
  func.func @transform_7(%arg0: i32) -> (i32, i32) {
    %c0_i32 = arith.constant 0 : i32
    %c0_i32_0 = arith.constant 0 : i32
    %c0_i32_1 = arith.constant 0 : i32
    return %c0_i32, %c0_i32_0 : i32, i32
  }
  func.func @transform_8(%arg0: i32) -> (i32, i32) {
    %c0_i32 = arith.constant 0 : i32
    %c0_i32_0 = arith.constant 0 : i32
    %c0_i32_1 = arith.constant 0 : i32
    return %c0_i32, %c0_i32_0 : i32, i32
  }
}

module attributes {stable_mosaic.version = 14 : i64} {
  func.func @_ru_body(%arg0: i32, %arg1: memref<2048x2048xbf16, #tpu.memory_space<vmem>>, %arg2: memref<2048x2048xbf16, #tpu.memory_space<vmem>>, %arg3: memref<4x2048x10xbf16, #tpu.memory_space<vmem>>, %arg4: memref<10x128xbf16, #tpu.memory_space<vmem>>, %arg5: memref<5x64x128xbf16, #tpu.memory_space<vmem>>, %arg6: memref<1x128xf32, #tpu.memory_space<vmem>>, %arg7: memref<4x2048x64xf32, #tpu.memory_space<vmem>>, %arg8: memref<2048x256xbf16, #tpu.memory_space<vmem>>, %arg9: memref<4x2048x64xf32, #tpu.memory_space<vmem>>) attributes {dimension_semantics = [#tpu.dimension_semantics<arbitrary>], iteration_bounds = array<i64: 8>, scalar_prefetch = 0 : i64, scratch_operands = 0 : i64, tpu.core_type = #tpu.core_type<tc>, window_params = [{pipeline_mode = #tpu.pipeline_mode<synchronous>, transform_indices = @transform_0, window_bounds = array<i64: 2048, 2048>}, {pipeline_mode = #tpu.pipeline_mode<synchronous>, transform_indices = @transform_1, window_bounds = array<i64: 2048, 2048>}, {transform_indices = @transform_2, window_bounds = array<i64: 4, 2048, 10>}, {pipeline_mode = #tpu.pipeline_mode<synchronous>, transform_indices = @transform_3, window_bounds = array<i64: 10, 128>}, {pipeline_mode = #tpu.pipeline_mode<synchronous>, transform_indices = @transform_4, window_bounds = array<i64: 5, 64, 128>}, {pipeline_mode = #tpu.pipeline_mode<synchronous>, transform_indices = @transform_5, window_bounds = array<i64: 1, 128>}, {transform_indices = @transform_6, window_bounds = array<i64: 4, 2048, 64>}, {transform_indices = @transform_7, window_bounds = array<i64: 2048, 256>}, {transform_indices = @transform_8, window_bounds = array<i64: 4, 2048, 64>}]} {
    %get3A = arith.constant 0 : index
    %get3A_0 = arith.constant 0 : index
    %get3A_1 = vector.load %arg1[%get3A, %get3A_0] : memref<2048x2048xbf16, #tpu.memory_space<vmem>>, vector<2048x2048xbf16>
    %get3A_2 = arith.constant 0 : index
    %get3A_3 = arith.constant 0 : index
    %get3A_4 = vector.load %arg2[%get3A_2, %get3A_3] : memref<2048x2048xbf16, #tpu.memory_space<vmem>>, vector<2048x2048xbf16>
    %get3A_5 = arith.constant 0 : index
    %get3A_6 = arith.constant 0 : index
    %get3A_7 = arith.constant 0 : index
    %get3A_8 = vector.load %arg7[%get3A_5, %get3A_6, %get3A_7] : memref<4x2048x64xf32, #tpu.memory_space<vmem>>, vector<1x2048x64xf32>
    %get3A_9 = vector.shape_cast %get3A_8 : vector<1x2048x64xf32> to vector<2048x64xf32>
    %get3A_10 = arith.constant 1 : index
    %get3A_11 = arith.constant 0 : index
    %get3A_12 = arith.constant 0 : index
    %get3A_13 = vector.load %arg7[%get3A_10, %get3A_11, %get3A_12] : memref<4x2048x64xf32, #tpu.memory_space<vmem>>, vector<1x2048x64xf32>
    %get3A_14 = vector.shape_cast %get3A_13 : vector<1x2048x64xf32> to vector<2048x64xf32>
    %get3A_15 = arith.constant 2 : index
    %get3A_16 = arith.constant 0 : index
    %get3A_17 = arith.constant 0 : index
    %get3A_18 = vector.load %arg7[%get3A_15, %get3A_16, %get3A_17] : memref<4x2048x64xf32, #tpu.memory_space<vmem>>, vector<1x2048x64xf32>
    %get3A_19 = vector.shape_cast %get3A_18 : vector<1x2048x64xf32> to vector<2048x64xf32>
    %get3A_20 = arith.constant 3 : index
    %get3A_21 = arith.constant 0 : index
    %get3A_22 = arith.constant 0 : index
    %get3A_23 = vector.load %arg7[%get3A_20, %get3A_21, %get3A_22] : memref<4x2048x64xf32, #tpu.memory_space<vmem>>, vector<1x2048x64xf32>
    %get3A_24 = vector.shape_cast %get3A_23 : vector<1x2048x64xf32> to vector<2048x64xf32>
    %convert_element_type3A = arith.truncf %get3A_9 : vector<2048x64xf32> to vector<2048x64xbf16>
    %convert_element_type3A_25 = arith.truncf %get3A_14 : vector<2048x64xf32> to vector<2048x64xbf16>
    %convert_element_type3A_26 = arith.truncf %get3A_19 : vector<2048x64xf32> to vector<2048x64xbf16>
    %convert_element_type3A_27 = arith.truncf %get3A_24 : vector<2048x64xf32> to vector<2048x64xbf16>
    %concatenate3A = tpu.concatenate %convert_element_type3A, %convert_element_type3A_25, %convert_element_type3A_26, %convert_element_type3A_27 in 1 : vector<2048x64xbf16>, vector<2048x64xbf16>, vector<2048x64xbf16>, vector<2048x64xbf16> -> vector<2048x256xbf16>
    %dot_general3A = arith.constant dense<0.000000e+00> : vector<2048x256xf32>
    %dot_general3A_28 = tpu.matmul %get3A_1, %concatenate3A, %dot_general3A {dimension_numbers = #tpu.dot_dimension_numbers<[1], [0], [0], [1], [0, 0, 1, 1], [], []>, transpose_lhs_hint = false} : vector<2048x2048xbf16>, vector<2048x256xbf16>, vector<2048x256xf32> -> vector<2048x256xf32>
    %convert_element_type3A_29 = arith.truncf %dot_general3A_28 : vector<2048x256xf32> to vector<2048x256xbf16>
    %dot_general3A_30 = arith.constant dense<0.000000e+00> : vector<2048x256xf32>
    %dot_general3A_31 = tpu.matmul %get3A_1, %convert_element_type3A_29, %dot_general3A_30 {dimension_numbers = #tpu.dot_dimension_numbers<[1], [0], [0], [1], [0, 0, 1, 1], [], []>, transpose_lhs_hint = false} : vector<2048x2048xbf16>, vector<2048x256xbf16>, vector<2048x256xf32> -> vector<2048x256xf32>
    %mul3A = arith.constant 2.000000e+00 : f32
    %mul3A_32 = vector.broadcast %mul3A : f32 to vector<2048x256xf32>
    %mul3A_33 = arith.mulf %mul3A_32, %dot_general3A_31 : vector<2048x256xf32>
    %convert_element_type3A_34 = arith.extf %concatenate3A : vector<2048x256xbf16> to vector<2048x256xf32>
    %sub3A = arith.subf %mul3A_33, %convert_element_type3A_34 : vector<2048x256xf32>
    %dot_general3A_35 = arith.constant dense<0.000000e+00> : vector<2048x256xf32>
    %dot_general3A_36 = tpu.matmul %get3A_4, %convert_element_type3A_29, %dot_general3A_35 {dimension_numbers = #tpu.dot_dimension_numbers<[1], [0], [0], [1], [0, 0, 1, 1], [], []>, transpose_lhs_hint = false} : vector<2048x2048xbf16>, vector<2048x256xbf16>, vector<2048x256xf32> -> vector<2048x256xf32>
    %convert_element_type3A_37 = arith.truncf %dot_general3A_36 : vector<2048x256xf32> to vector<2048x256xbf16>
    %dot_general3A_38 = arith.constant dense<0.000000e+00> : vector<2048x256xf32>
    %dot_general3A_39 = tpu.matmul %get3A_4, %convert_element_type3A_37, %dot_general3A_38 {dimension_numbers = #tpu.dot_dimension_numbers<[1], [0], [0], [1], [0, 0, 1, 1], [], []>, transpose_lhs_hint = false} : vector<2048x2048xbf16>, vector<2048x256xbf16>, vector<2048x256xf32> -> vector<2048x256xf32>
    %mul3A_40 = arith.constant 2.000000e+00 : f32
    %mul3A_41 = vector.broadcast %mul3A_40 : f32 to vector<2048x256xf32>
    %mul3A_42 = arith.mulf %mul3A_41, %dot_general3A_39 : vector<2048x256xf32>
    %convert_element_type3A_43 = arith.extf %convert_element_type3A_29 : vector<2048x256xbf16> to vector<2048x256xf32>
    %sub3A_44 = arith.subf %mul3A_42, %convert_element_type3A_43 : vector<2048x256xf32>
    %convert_element_type3A_45 = arith.truncf %sub3A : vector<2048x256xf32> to vector<2048x256xbf16>
    %convert_element_type3A_46 = arith.truncf %sub3A_44 : vector<2048x256xf32> to vector<2048x256xbf16>
    %get3A_47 = arith.constant 0 : index
    %get3A_48 = arith.constant 0 : index
    %get3A_49 = vector.load %arg4[%get3A_47, %get3A_48] : memref<10x128xbf16, #tpu.memory_space<vmem>>, vector<10x128xbf16>
    %get3A_50 = arith.constant 0 : index
    %get3A_51 = arith.constant 0 : index
    %get3A_52 = vector.load %arg6[%get3A_50, %get3A_51] : memref<1x128xf32, #tpu.memory_space<vmem>>, vector<1x128xf32>
    %get3A_53 = arith.constant 0 : index
    %get3A_54 = arith.constant 0 : index
    %get3A_55 = arith.constant 0 : index
    %get3A_56 = vector.load %arg5[%get3A_53, %get3A_54, %get3A_55] : memref<5x64x128xbf16, #tpu.memory_space<vmem>>, vector<5x64x128xbf16>
    %reshape3A = vector.shape_cast %get3A_56 : vector<5x64x128xbf16> to vector<320x128xbf16>
    %slice3A = vector.extract_strided_slice %convert_element_type3A_29 {offsets = [0, 0], sizes = [2048, 64], strides = [1, 1]} : vector<2048x256xbf16> to vector<2048x64xbf16>
    %slice3A_57 = vector.extract_strided_slice %convert_element_type3A_45 {offsets = [0, 0], sizes = [2048, 64], strides = [1, 1]} : vector<2048x256xbf16> to vector<2048x64xbf16>
    %slice3A_58 = vector.extract_strided_slice %convert_element_type3A_37 {offsets = [0, 0], sizes = [2048, 64], strides = [1, 1]} : vector<2048x256xbf16> to vector<2048x64xbf16>
    %slice3A_59 = vector.extract_strided_slice %convert_element_type3A_46 {offsets = [0, 0], sizes = [2048, 64], strides = [1, 1]} : vector<2048x256xbf16> to vector<2048x64xbf16>
    %concatenate3A_60 = tpu.concatenate %convert_element_type3A, %slice3A, %slice3A_57, %slice3A_58, %slice3A_59 in 1 : vector<2048x64xbf16>, vector<2048x64xbf16>, vector<2048x64xbf16>, vector<2048x64xbf16>, vector<2048x64xbf16> -> vector<2048x320xbf16>
    %get3A_61 = arith.constant 0 : index
    %get3A_62 = arith.constant 0 : index
    %get3A_63 = arith.constant 0 : index
    %get3A_64 = vector.load %arg3[%get3A_61, %get3A_62, %get3A_63] : memref<4x2048x10xbf16, #tpu.memory_space<vmem>>, vector<1x2048x10xbf16>
    %get3A_65 = vector.shape_cast %get3A_64 : vector<1x2048x10xbf16> to vector<2048x10xbf16>
    %dot_general3A_66 = arith.constant dense<0.000000e+00> : vector<2048x128xf32>
    %dot_general3A_67 = tpu.matmul %get3A_65, %get3A_49, %dot_general3A_66 {dimension_numbers = #tpu.dot_dimension_numbers<[1], [0], [0], [1], [0, 0, 1, 1], [], []>, transpose_lhs_hint = false} : vector<2048x10xbf16>, vector<10x128xbf16>, vector<2048x128xf32> -> vector<2048x128xf32>
    %add3A = vector.broadcast %get3A_52 : vector<1x128xf32> to vector<2048x128xf32>
    %add3A_68 = arith.addf %add3A, %dot_general3A_67 : vector<2048x128xf32>
    %dot_general3A_69 = arith.constant dense<0.000000e+00> : vector<2048x128xf32>
    %dot_general3A_70 = tpu.matmul %concatenate3A_60, %reshape3A, %dot_general3A_69 {dimension_numbers = #tpu.dot_dimension_numbers<[1], [0], [0], [1], [0, 0, 1, 1], [], []>, transpose_lhs_hint = false} : vector<2048x320xbf16>, vector<320x128xbf16>, vector<2048x128xf32> -> vector<2048x128xf32>
    %add3A_71 = arith.addf %add3A_68, %dot_general3A_70 : vector<2048x128xf32>
    %logistic3A = arith.negf %add3A_71 : vector<2048x128xf32>
    %logistic3A_72 = math.exp %logistic3A : vector<2048x128xf32>
    %logistic3A_73 = arith.constant 1.000000e+00 : f32
    %logistic3A_74 = vector.broadcast %logistic3A_73 : f32 to vector<2048x128xf32>
    %logistic3A_75 = arith.addf %logistic3A_74, %logistic3A_72 : vector<2048x128xf32>
    %logistic3A_76 = arith.divf %logistic3A_74, %logistic3A_75 : vector<2048x128xf32>
    %slice3A_77 = vector.extract_strided_slice %logistic3A_76 {offsets = [0, 0], sizes = [2048, 64], strides = [1, 1]} : vector<2048x128xf32> to vector<2048x64xf32>
    %slice3A_78 = vector.extract_strided_slice %logistic3A_76 {offsets = [0, 64], sizes = [2048, 64], strides = [1, 1]} : vector<2048x128xf32> to vector<2048x64xf32>
    %swap3A = arith.constant 0 : index
    %swap3A_79 = arith.constant 0 : index
    %swap3A_80 = arith.constant 0 : index
    %swap3A_81 = vector.load %arg9[%swap3A, %swap3A_79, %swap3A_80] : memref<4x2048x64xf32, #tpu.memory_space<vmem>>, vector<1x2048x64xf32>
    %swap3A_82 = vector.shape_cast %swap3A_81 : vector<1x2048x64xf32> to vector<2048x64xf32>
    %swap3A_83 = vector.shape_cast %slice3A_78 : vector<2048x64xf32> to vector<1x2048x64xf32>
    tpu.vector_store %arg9[%swap3A, %swap3A_79, %swap3A_80], %swap3A_83 {strides = array<i32>} : memref<4x2048x64xf32, #tpu.memory_space<vmem>>, vector<1x2048x64xf32>,
    %mul3A_84 = arith.mulf %slice3A_77, %get3A_9 : vector<2048x64xf32>
    %convert_element_type3A_85 = arith.truncf %mul3A_84 : vector<2048x64xf32> to vector<2048x64xbf16>
    %slice3A_86 = vector.extract_strided_slice %convert_element_type3A_29 {offsets = [0, 64], sizes = [2048, 64], strides = [1, 1]} : vector<2048x256xbf16> to vector<2048x64xbf16>
    %slice3A_87 = vector.extract_strided_slice %convert_element_type3A_45 {offsets = [0, 64], sizes = [2048, 64], strides = [1, 1]} : vector<2048x256xbf16> to vector<2048x64xbf16>
    %slice3A_88 = vector.extract_strided_slice %convert_element_type3A_37 {offsets = [0, 64], sizes = [2048, 64], strides = [1, 1]} : vector<2048x256xbf16> to vector<2048x64xbf16>
    %slice3A_89 = vector.extract_strided_slice %convert_element_type3A_46 {offsets = [0, 64], sizes = [2048, 64], strides = [1, 1]} : vector<2048x256xbf16> to vector<2048x64xbf16>
    %concatenate3A_90 = tpu.concatenate %convert_element_type3A_25, %slice3A_86, %slice3A_87, %slice3A_88, %slice3A_89 in 1 : vector<2048x64xbf16>, vector<2048x64xbf16>, vector<2048x64xbf16>, vector<2048x64xbf16>, vector<2048x64xbf16> -> vector<2048x320xbf16>
    %get3A_91 = arith.constant 1 : index
    %get3A_92 = arith.constant 0 : index
    %get3A_93 = arith.constant 0 : index
    %get3A_94 = vector.load %arg3[%get3A_91, %get3A_92, %get3A_93] : memref<4x2048x10xbf16, #tpu.memory_space<vmem>>, vector<1x2048x10xbf16>
    %get3A_95 = vector.shape_cast %get3A_94 : vector<1x2048x10xbf16> to vector<2048x10xbf16>
    %dot_general3A_96 = arith.constant dense<0.000000e+00> : vector<2048x128xf32>
    %dot_general3A_97 = tpu.matmul %get3A_95, %get3A_49, %dot_general3A_96 {dimension_numbers = #tpu.dot_dimension_numbers<[1], [0], [0], [1], [0, 0, 1, 1], [], []>, transpose_lhs_hint = false} : vector<2048x10xbf16>, vector<10x128xbf16>, vector<2048x128xf32> -> vector<2048x128xf32>
    %add3A_98 = vector.broadcast %get3A_52 : vector<1x128xf32> to vector<2048x128xf32>
    %add3A_99 = arith.addf %add3A_98, %dot_general3A_97 : vector<2048x128xf32>
    %dot_general3A_100 = arith.constant dense<0.000000e+00> : vector<2048x128xf32>
    %dot_general3A_101 = tpu.matmul %concatenate3A_90, %reshape3A, %dot_general3A_100 {dimension_numbers = #tpu.dot_dimension_numbers<[1], [0], [0], [1], [0, 0, 1, 1], [], []>, transpose_lhs_hint = false} : vector<2048x320xbf16>, vector<320x128xbf16>, vector<2048x128xf32> -> vector<2048x128xf32>
    %add3A_102 = arith.addf %add3A_99, %dot_general3A_101 : vector<2048x128xf32>
    %logistic3A_103 = arith.negf %add3A_102 : vector<2048x128xf32>
    %logistic3A_104 = math.exp %logistic3A_103 : vector<2048x128xf32>
    %logistic3A_105 = arith.constant 1.000000e+00 : f32
    %logistic3A_106 = vector.broadcast %logistic3A_105 : f32 to vector<2048x128xf32>
    %logistic3A_107 = arith.addf %logistic3A_106, %logistic3A_104 : vector<2048x128xf32>
    %logistic3A_108 = arith.divf %logistic3A_106, %logistic3A_107 : vector<2048x128xf32>
    %slice3A_109 = vector.extract_strided_slice %logistic3A_108 {offsets = [0, 0], sizes = [2048, 64], strides = [1, 1]} : vector<2048x128xf32> to vector<2048x64xf32>
    %slice3A_110 = vector.extract_strided_slice %logistic3A_108 {offsets = [0, 64], sizes = [2048, 64], strides = [1, 1]} : vector<2048x128xf32> to vector<2048x64xf32>
    %swap3A_111 = arith.constant 1 : index
    %swap3A_112 = arith.constant 0 : index
    %swap3A_113 = arith.constant 0 : index
    %swap3A_114 = vector.load %arg9[%swap3A_111, %swap3A_112, %swap3A_113] : memref<4x2048x64xf32, #tpu.memory_space<vmem>>, vector<1x2048x64xf32>
    %swap3A_115 = vector.shape_cast %swap3A_114 : vector<1x2048x64xf32> to vector<2048x64xf32>
    %swap3A_116 = vector.shape_cast %slice3A_110 : vector<2048x64xf32> to vector<1x2048x64xf32>
    tpu.vector_store %arg9[%swap3A_111, %swap3A_112, %swap3A_113], %swap3A_116 {strides = array<i32>} : memref<4x2048x64xf32, #tpu.memory_space<vmem>>, vector<1x2048x64xf32>,
    %mul3A_117 = arith.mulf %slice3A_109, %get3A_14 : vector<2048x64xf32>
    %convert_element_type3A_118 = arith.truncf %mul3A_117 : vector<2048x64xf32> to vector<2048x64xbf16>
    %slice3A_119 = vector.extract_strided_slice %convert_element_type3A_29 {offsets = [0, 128], sizes = [2048, 64], strides = [1, 1]} : vector<2048x256xbf16> to vector<2048x64xbf16>
    %slice3A_120 = vector.extract_strided_slice %convert_element_type3A_45 {offsets = [0, 128], sizes = [2048, 64], strides = [1, 1]} : vector<2048x256xbf16> to vector<2048x64xbf16>
    %slice3A_121 = vector.extract_strided_slice %convert_element_type3A_37 {offsets = [0, 128], sizes = [2048, 64], strides = [1, 1]} : vector<2048x256xbf16> to vector<2048x64xbf16>
    %slice3A_122 = vector.extract_strided_slice %convert_element_type3A_46 {offsets = [0, 128], sizes = [2048, 64], strides = [1, 1]} : vector<2048x256xbf16> to vector<2048x64xbf16>
    %concatenate3A_123 = tpu.concatenate %convert_element_type3A_26, %slice3A_119, %slice3A_120, %slice3A_121, %slice3A_122 in 1 : vector<2048x64xbf16>, vector<2048x64xbf16>, vector<2048x64xbf16>, vector<2048x64xbf16>, vector<2048x64xbf16> -> vector<2048x320xbf16>
    %get3A_124 = arith.constant 2 : index
    %get3A_125 = arith.constant 0 : index
    %get3A_126 = arith.constant 0 : index
    %get3A_127 = vector.load %arg3[%get3A_124, %get3A_125, %get3A_126] : memref<4x2048x10xbf16, #tpu.memory_space<vmem>>, vector<1x2048x10xbf16>
    %get3A_128 = vector.shape_cast %get3A_127 : vector<1x2048x10xbf16> to vector<2048x10xbf16>
    %dot_general3A_129 = arith.constant dense<0.000000e+00> : vector<2048x128xf32>
    %dot_general3A_130 = tpu.matmul %get3A_128, %get3A_49, %dot_general3A_129 {dimension_numbers = #tpu.dot_dimension_numbers<[1], [0], [0], [1], [0, 0, 1, 1], [], []>, transpose_lhs_hint = false} : vector<2048x10xbf16>, vector<10x128xbf16>, vector<2048x128xf32> -> vector<2048x128xf32>
    %add3A_131 = vector.broadcast %get3A_52 : vector<1x128xf32> to vector<2048x128xf32>
    %add3A_132 = arith.addf %add3A_131, %dot_general3A_130 : vector<2048x128xf32>
    %dot_general3A_133 = arith.constant dense<0.000000e+00> : vector<2048x128xf32>
    %dot_general3A_134 = tpu.matmul %concatenate3A_123, %reshape3A, %dot_general3A_133 {dimension_numbers = #tpu.dot_dimension_numbers<[1], [0], [0], [1], [0, 0, 1, 1], [], []>, transpose_lhs_hint = false} : vector<2048x320xbf16>, vector<320x128xbf16>, vector<2048x128xf32> -> vector<2048x128xf32>
    %add3A_135 = arith.addf %add3A_132, %dot_general3A_134 : vector<2048x128xf32>
    %logistic3A_136 = arith.negf %add3A_135 : vector<2048x128xf32>
    %logistic3A_137 = math.exp %logistic3A_136 : vector<2048x128xf32>
    %logistic3A_138 = arith.constant 1.000000e+00 : f32
    %logistic3A_139 = vector.broadcast %logistic3A_138 : f32 to vector<2048x128xf32>
    %logistic3A_140 = arith.addf %logistic3A_139, %logistic3A_137 : vector<2048x128xf32>
    %logistic3A_141 = arith.divf %logistic3A_139, %logistic3A_140 : vector<2048x128xf32>
    %slice3A_142 = vector.extract_strided_slice %logistic3A_141 {offsets = [0, 0], sizes = [2048, 64], strides = [1, 1]} : vector<2048x128xf32> to vector<2048x64xf32>
    %slice3A_143 = vector.extract_strided_slice %logistic3A_141 {offsets = [0, 64], sizes = [2048, 64], strides = [1, 1]} : vector<2048x128xf32> to vector<2048x64xf32>
    %swap3A_144 = arith.constant 2 : index
    %swap3A_145 = arith.constant 0 : index
    %swap3A_146 = arith.constant 0 : index
    %swap3A_147 = vector.load %arg9[%swap3A_144, %swap3A_145, %swap3A_146] : memref<4x2048x64xf32, #tpu.memory_space<vmem>>, vector<1x2048x64xf32>
    %swap3A_148 = vector.shape_cast %swap3A_147 : vector<1x2048x64xf32> to vector<2048x64xf32>
    %swap3A_149 = vector.shape_cast %slice3A_143 : vector<2048x64xf32> to vector<1x2048x64xf32>
    tpu.vector_store %arg9[%swap3A_144, %swap3A_145, %swap3A_146], %swap3A_149 {strides = array<i32>} : memref<4x2048x64xf32, #tpu.memory_space<vmem>>, vector<1x2048x64xf32>,
    %mul3A_150 = arith.mulf %slice3A_142, %get3A_19 : vector<2048x64xf32>
    %convert_element_type3A_151 = arith.truncf %mul3A_150 : vector<2048x64xf32> to vector<2048x64xbf16>
    %slice3A_152 = vector.extract_strided_slice %convert_element_type3A_29 {offsets = [0, 192], sizes = [2048, 64], strides = [1, 1]} : vector<2048x256xbf16> to vector<2048x64xbf16>
    %slice3A_153 = vector.extract_strided_slice %convert_element_type3A_45 {offsets = [0, 192], sizes = [2048, 64], strides = [1, 1]} : vector<2048x256xbf16> to vector<2048x64xbf16>
    %slice3A_154 = vector.extract_strided_slice %convert_element_type3A_37 {offsets = [0, 192], sizes = [2048, 64], strides = [1, 1]} : vector<2048x256xbf16> to vector<2048x64xbf16>
    %slice3A_155 = vector.extract_strided_slice %convert_element_type3A_46 {offsets = [0, 192], sizes = [2048, 64], strides = [1, 1]} : vector<2048x256xbf16> to vector<2048x64xbf16>
    %concatenate3A_156 = tpu.concatenate %convert_element_type3A_27, %slice3A_152, %slice3A_153, %slice3A_154, %slice3A_155 in 1 : vector<2048x64xbf16>, vector<2048x64xbf16>, vector<2048x64xbf16>, vector<2048x64xbf16>, vector<2048x64xbf16> -> vector<2048x320xbf16>
    %get3A_157 = arith.constant 3 : index
    %get3A_158 = arith.constant 0 : index
    %get3A_159 = arith.constant 0 : index
    %get3A_160 = vector.load %arg3[%get3A_157, %get3A_158, %get3A_159] : memref<4x2048x10xbf16, #tpu.memory_space<vmem>>, vector<1x2048x10xbf16>
    %get3A_161 = vector.shape_cast %get3A_160 : vector<1x2048x10xbf16> to vector<2048x10xbf16>
    %dot_general3A_162 = arith.constant dense<0.000000e+00> : vector<2048x128xf32>
    %dot_general3A_163 = tpu.matmul %get3A_161, %get3A_49, %dot_general3A_162 {dimension_numbers = #tpu.dot_dimension_numbers<[1], [0], [0], [1], [0, 0, 1, 1], [], []>, transpose_lhs_hint = false} : vector<2048x10xbf16>, vector<10x128xbf16>, vector<2048x128xf32> -> vector<2048x128xf32>
    %add3A_164 = vector.broadcast %get3A_52 : vector<1x128xf32> to vector<2048x128xf32>
    %add3A_165 = arith.addf %add3A_164, %dot_general3A_163 : vector<2048x128xf32>
    %dot_general3A_166 = arith.constant dense<0.000000e+00> : vector<2048x128xf32>
    %dot_general3A_167 = tpu.matmul %concatenate3A_156, %reshape3A, %dot_general3A_166 {dimension_numbers = #tpu.dot_dimension_numbers<[1], [0], [0], [1], [0, 0, 1, 1], [], []>, transpose_lhs_hint = false} : vector<2048x320xbf16>, vector<320x128xbf16>, vector<2048x128xf32> -> vector<2048x128xf32>
    %add3A_168 = arith.addf %add3A_165, %dot_general3A_167 : vector<2048x128xf32>
    %logistic3A_169 = arith.negf %add3A_168 : vector<2048x128xf32>
    %logistic3A_170 = math.exp %logistic3A_169 : vector<2048x128xf32>
    %logistic3A_171 = arith.constant 1.000000e+00 : f32
    %logistic3A_172 = vector.broadcast %logistic3A_171 : f32 to vector<2048x128xf32>
    %logistic3A_173 = arith.addf %logistic3A_172, %logistic3A_170 : vector<2048x128xf32>
    %logistic3A_174 = arith.divf %logistic3A_172, %logistic3A_173 : vector<2048x128xf32>
    %slice3A_175 = vector.extract_strided_slice %logistic3A_174 {offsets = [0, 0], sizes = [2048, 64], strides = [1, 1]} : vector<2048x128xf32> to vector<2048x64xf32>
    %slice3A_176 = vector.extract_strided_slice %logistic3A_174 {offsets = [0, 64], sizes = [2048, 64], strides = [1, 1]} : vector<2048x128xf32> to vector<2048x64xf32>
    %swap3A_177 = arith.constant 3 : index
    %swap3A_178 = arith.constant 0 : index
    %swap3A_179 = arith.constant 0 : index
    %swap3A_180 = vector.load %arg9[%swap3A_177, %swap3A_178, %swap3A_179] : memref<4x2048x64xf32, #tpu.memory_space<vmem>>, vector<1x2048x64xf32>
    %swap3A_181 = vector.shape_cast %swap3A_180 : vector<1x2048x64xf32> to vector<2048x64xf32>
    %swap3A_182 = vector.shape_cast %slice3A_176 : vector<2048x64xf32> to vector<1x2048x64xf32>
    tpu.vector_store %arg9[%swap3A_177, %swap3A_178, %swap3A_179], %swap3A_182 {strides = array<i32>} : memref<4x2048x64xf32, #tpu.memory_space<vmem>>, vector<1x2048x64xf32>,
    %mul3A_183 = arith.mulf %slice3A_175, %get3A_24 : vector<2048x64xf32>
    %convert_element_type3A_184 = arith.truncf %mul3A_183 : vector<2048x64xf32> to vector<2048x64xbf16>
    %concatenate3A_185 = tpu.concatenate %convert_element_type3A_85, %convert_element_type3A_118, %convert_element_type3A_151, %convert_element_type3A_184 in 1 : vector<2048x64xbf16>, vector<2048x64xbf16>, vector<2048x64xbf16>, vector<2048x64xbf16> -> vector<2048x256xbf16>
    %swap3A_186 = arith.constant 0 : index
    %swap3A_187 = arith.constant 0 : index
    %swap3A_188 = vector.load %arg8[%swap3A_186, %swap3A_187] : memref<2048x256xbf16, #tpu.memory_space<vmem>>, vector<2048x256xbf16>
    tpu.vector_store %arg8[%swap3A_186, %swap3A_187], %concatenate3A_185 {strides = array<i32>} : memref<2048x256xbf16, #tpu.memory_space<vmem>>, vector<2048x256xbf16>,
    return
  }
  func.func @transform_0(%arg0: i32) -> (i32, i32) {
    %c0_i32 = arith.constant 0 : i32
    %c0_i32_0 = arith.constant 0 : i32
    %c0_i32_1 = arith.constant 0 : i32
    return %c0_i32, %c0_i32_0 : i32, i32
  }
  func.func @transform_1(%arg0: i32) -> (i32, i32) {
    %c0_i32 = arith.constant 0 : i32
    %c0_i32_0 = arith.constant 0 : i32
    %c0_i32_1 = arith.constant 0 : i32
    return %c0_i32, %c0_i32_0 : i32, i32
  }
  func.func @transform_2(%arg0: i32) -> (i32, i32, i32) {
    %c0_i32 = arith.constant 0 : i32
    %c0_i32_0 = arith.constant 0 : i32
    %c0_i32_1 = arith.constant 0 : i32
    return %arg0, %c0_i32, %c0_i32_0 : i32, i32, i32
  }
  func.func @transform_3(%arg0: i32) -> (i32, i32) {
    %c0_i32 = arith.constant 0 : i32
    %c0_i32_0 = arith.constant 0 : i32
    %c0_i32_1 = arith.constant 0 : i32
    return %c0_i32, %c0_i32_0 : i32, i32
  }
  func.func @transform_4(%arg0: i32) -> (i32, i32, i32) {
    %c0_i32 = arith.constant 0 : i32
    %c0_i32_0 = arith.constant 0 : i32
    %c0_i32_1 = arith.constant 0 : i32
    %c0_i32_2 = arith.constant 0 : i32
    return %c0_i32, %c0_i32_0, %c0_i32_1 : i32, i32, i32
  }
  func.func @transform_5(%arg0: i32) -> (i32, i32) {
    %c0_i32 = arith.constant 0 : i32
    %c0_i32_0 = arith.constant 0 : i32
    %c0_i32_1 = arith.constant 0 : i32
    return %c0_i32, %c0_i32_0 : i32, i32
  }
  func.func @transform_6(%arg0: i32) -> (i32, i32, i32) {
    %c0_i32 = arith.constant 0 : i32
    %c0_i32_0 = arith.constant 0 : i32
    %c0_i32_1 = arith.constant 0 : i32
    return %arg0, %c0_i32, %c0_i32_0 : i32, i32, i32
  }
  func.func @transform_7(%arg0: i32) -> (i32, i32) {
    %c0_i32 = arith.constant 0 : i32
    %c0_i32_0 = arith.constant 0 : i32
    return %c0_i32, %arg0 : i32, i32
  }
  func.func @transform_8(%arg0: i32) -> (i32, i32, i32) {
    %c0_i32 = arith.constant 0 : i32
    %c0_i32_0 = arith.constant 0 : i32
    %c0_i32_1 = arith.constant 0 : i32
    return %arg0, %c0_i32, %c0_i32_0 : i32, i32, i32
  }
}

module attributes {stable_mosaic.version = 14 : i64} {
  func.func @_gout_body(%arg0: i32, %arg1: memref<2048x2048xbf16, #tpu.memory_space<vmem>>, %arg2: memref<2048x2048xbf16, #tpu.memory_space<vmem>>, %arg3: memref<4x2048x10xbf16, #tpu.memory_space<vmem>>, %arg4: memref<10x64xbf16, #tpu.memory_space<vmem>>, %arg5: memref<5x64x64xbf16, #tpu.memory_space<vmem>>, %arg6: memref<1x64xf32, #tpu.memory_space<vmem>>, %arg7: memref<2048x256xbf16, #tpu.memory_space<vmem>>, %arg8: memref<4x2048x64xf32, #tpu.memory_space<vmem>>, %arg9: memref<4x2048x64xf32, #tpu.memory_space<vmem>>, %arg10: memref<4x2048x64xf32, #tpu.memory_space<vmem>>) attributes {dimension_semantics = [#tpu.dimension_semantics<arbitrary>], iteration_bounds = array<i64: 8>, scalar_prefetch = 0 : i64, scratch_operands = 0 : i64, tpu.core_type = #tpu.core_type<tc>, window_params = [{pipeline_mode = #tpu.pipeline_mode<synchronous>, transform_indices = @transform_0, window_bounds = array<i64: 2048, 2048>}, {pipeline_mode = #tpu.pipeline_mode<synchronous>, transform_indices = @transform_1, window_bounds = array<i64: 2048, 2048>}, {transform_indices = @transform_2, window_bounds = array<i64: 4, 2048, 10>}, {pipeline_mode = #tpu.pipeline_mode<synchronous>, transform_indices = @transform_3, window_bounds = array<i64: 10, 64>}, {pipeline_mode = #tpu.pipeline_mode<synchronous>, transform_indices = @transform_4, window_bounds = array<i64: 5, 64, 64>}, {pipeline_mode = #tpu.pipeline_mode<synchronous>, transform_indices = @transform_5, window_bounds = array<i64: 1, 64>}, {transform_indices = @transform_6, window_bounds = array<i64: 2048, 256>}, {transform_indices = @transform_7, window_bounds = array<i64: 4, 2048, 64>}, {transform_indices = @transform_8, window_bounds = array<i64: 4, 2048, 64>}, {transform_indices = @transform_9, window_bounds = array<i64: 4, 2048, 64>}]} {
    %get3A = arith.constant 0 : index
    %get3A_0 = arith.constant 0 : index
    %get3A_1 = vector.load %arg1[%get3A, %get3A_0] : memref<2048x2048xbf16, #tpu.memory_space<vmem>>, vector<2048x2048xbf16>
    %get3A_2 = arith.constant 0 : index
    %get3A_3 = arith.constant 0 : index
    %get3A_4 = vector.load %arg2[%get3A_2, %get3A_3] : memref<2048x2048xbf16, #tpu.memory_space<vmem>>, vector<2048x2048xbf16>
    %get3A_5 = arith.constant 0 : index
    %get3A_6 = arith.constant 0 : index
    %get3A_7 = vector.load %arg7[%get3A_5, %get3A_6] : memref<2048x256xbf16, #tpu.memory_space<vmem>>, vector<2048x256xbf16>
    %dot_general3A = arith.constant dense<0.000000e+00> : vector<2048x256xf32>
    %dot_general3A_8 = tpu.matmul %get3A_1, %get3A_7, %dot_general3A {dimension_numbers = #tpu.dot_dimension_numbers<[1], [0], [0], [1], [0, 0, 1, 1], [], []>, transpose_lhs_hint = false} : vector<2048x2048xbf16>, vector<2048x256xbf16>, vector<2048x256xf32> -> vector<2048x256xf32>
    %convert_element_type3A = arith.truncf %dot_general3A_8 : vector<2048x256xf32> to vector<2048x256xbf16>
    %dot_general3A_9 = arith.constant dense<0.000000e+00> : vector<2048x256xf32>
    %dot_general3A_10 = tpu.matmul %get3A_1, %convert_element_type3A, %dot_general3A_9 {dimension_numbers = #tpu.dot_dimension_numbers<[1], [0], [0], [1], [0, 0, 1, 1], [], []>, transpose_lhs_hint = false} : vector<2048x2048xbf16>, vector<2048x256xbf16>, vector<2048x256xf32> -> vector<2048x256xf32>
    %mul3A = arith.constant 2.000000e+00 : f32
    %mul3A_11 = vector.broadcast %mul3A : f32 to vector<2048x256xf32>
    %mul3A_12 = arith.mulf %mul3A_11, %dot_general3A_10 : vector<2048x256xf32>
    %convert_element_type3A_13 = arith.extf %get3A_7 : vector<2048x256xbf16> to vector<2048x256xf32>
    %sub3A = arith.subf %mul3A_12, %convert_element_type3A_13 : vector<2048x256xf32>
    %dot_general3A_14 = arith.constant dense<0.000000e+00> : vector<2048x256xf32>
    %dot_general3A_15 = tpu.matmul %get3A_4, %convert_element_type3A, %dot_general3A_14 {dimension_numbers = #tpu.dot_dimension_numbers<[1], [0], [0], [1], [0, 0, 1, 1], [], []>, transpose_lhs_hint = false} : vector<2048x2048xbf16>, vector<2048x256xbf16>, vector<2048x256xf32> -> vector<2048x256xf32>
    %convert_element_type3A_16 = arith.truncf %dot_general3A_15 : vector<2048x256xf32> to vector<2048x256xbf16>
    %dot_general3A_17 = arith.constant dense<0.000000e+00> : vector<2048x256xf32>
    %dot_general3A_18 = tpu.matmul %get3A_4, %convert_element_type3A_16, %dot_general3A_17 {dimension_numbers = #tpu.dot_dimension_numbers<[1], [0], [0], [1], [0, 0, 1, 1], [], []>, transpose_lhs_hint = false} : vector<2048x2048xbf16>, vector<2048x256xbf16>, vector<2048x256xf32> -> vector<2048x256xf32>
    %mul3A_19 = arith.constant 2.000000e+00 : f32
    %mul3A_20 = vector.broadcast %mul3A_19 : f32 to vector<2048x256xf32>
    %mul3A_21 = arith.mulf %mul3A_20, %dot_general3A_18 : vector<2048x256xf32>
    %convert_element_type3A_22 = arith.extf %convert_element_type3A : vector<2048x256xbf16> to vector<2048x256xf32>
    %sub3A_23 = arith.subf %mul3A_21, %convert_element_type3A_22 : vector<2048x256xf32>
    %convert_element_type3A_24 = arith.truncf %sub3A : vector<2048x256xf32> to vector<2048x256xbf16>
    %convert_element_type3A_25 = arith.truncf %sub3A_23 : vector<2048x256xf32> to vector<2048x256xbf16>
    %get3A_26 = arith.constant 0 : index
    %get3A_27 = arith.constant 0 : index
    %get3A_28 = vector.load %arg4[%get3A_26, %get3A_27] : memref<10x64xbf16, #tpu.memory_space<vmem>>, vector<10x64xbf16>
    %get3A_29 = arith.constant 0 : index
    %get3A_30 = arith.constant 0 : index
    %get3A_31 = vector.load %arg6[%get3A_29, %get3A_30] : memref<1x64xf32, #tpu.memory_space<vmem>>, vector<1x64xf32>
    %get3A_32 = arith.constant 0 : index
    %get3A_33 = arith.constant 0 : index
    %get3A_34 = arith.constant 0 : index
    %get3A_35 = vector.load %arg5[%get3A_32, %get3A_33, %get3A_34] : memref<5x64x64xbf16, #tpu.memory_space<vmem>>, vector<5x64x64xbf16>
    %reshape3A = vector.shape_cast %get3A_35 : vector<5x64x64xbf16> to vector<320x64xbf16>
    %slice3A = vector.extract_strided_slice %get3A_7 {offsets = [0, 0], sizes = [2048, 64], strides = [1, 1]} : vector<2048x256xbf16> to vector<2048x64xbf16>
    %slice3A_36 = vector.extract_strided_slice %convert_element_type3A {offsets = [0, 0], sizes = [2048, 64], strides = [1, 1]} : vector<2048x256xbf16> to vector<2048x64xbf16>
    %slice3A_37 = vector.extract_strided_slice %convert_element_type3A_24 {offsets = [0, 0], sizes = [2048, 64], strides = [1, 1]} : vector<2048x256xbf16> to vector<2048x64xbf16>
    %slice3A_38 = vector.extract_strided_slice %convert_element_type3A_16 {offsets = [0, 0], sizes = [2048, 64], strides = [1, 1]} : vector<2048x256xbf16> to vector<2048x64xbf16>
    %slice3A_39 = vector.extract_strided_slice %convert_element_type3A_25 {offsets = [0, 0], sizes = [2048, 64], strides = [1, 1]} : vector<2048x256xbf16> to vector<2048x64xbf16>
    %concatenate3A = tpu.concatenate %slice3A, %slice3A_36, %slice3A_37, %slice3A_38, %slice3A_39 in 1 : vector<2048x64xbf16>, vector<2048x64xbf16>, vector<2048x64xbf16>, vector<2048x64xbf16>, vector<2048x64xbf16> -> vector<2048x320xbf16>
    %get3A_40 = arith.constant 0 : index
    %get3A_41 = arith.constant 0 : index
    %get3A_42 = arith.constant 0 : index
    %get3A_43 = vector.load %arg3[%get3A_40, %get3A_41, %get3A_42] : memref<4x2048x10xbf16, #tpu.memory_space<vmem>>, vector<1x2048x10xbf16>
    %get3A_44 = vector.shape_cast %get3A_43 : vector<1x2048x10xbf16> to vector<2048x10xbf16>
    %dot_general3A_45 = arith.constant dense<0.000000e+00> : vector<2048x64xf32>
    %dot_general3A_46 = tpu.matmul %get3A_44, %get3A_28, %dot_general3A_45 {dimension_numbers = #tpu.dot_dimension_numbers<[1], [0], [0], [1], [0, 0, 1, 1], [], []>, transpose_lhs_hint = false} : vector<2048x10xbf16>, vector<10x64xbf16>, vector<2048x64xf32> -> vector<2048x64xf32>
    %add3A = vector.broadcast %get3A_31 : vector<1x64xf32> to vector<2048x64xf32>
    %add3A_47 = arith.addf %add3A, %dot_general3A_46 : vector<2048x64xf32>
    %dot_general3A_48 = arith.constant dense<0.000000e+00> : vector<2048x64xf32>
    %dot_general3A_49 = tpu.matmul %concatenate3A, %reshape3A, %dot_general3A_48 {dimension_numbers = #tpu.dot_dimension_numbers<[1], [0], [0], [1], [0, 0, 1, 1], [], []>, transpose_lhs_hint = false} : vector<2048x320xbf16>, vector<320x64xbf16>, vector<2048x64xf32> -> vector<2048x64xf32>
    %add3A_50 = arith.addf %add3A_47, %dot_general3A_49 : vector<2048x64xf32>
    %tanh3A = math.tanh %add3A_50 : vector<2048x64xf32>
    %get3A_51 = arith.constant 0 : index
    %get3A_52 = arith.constant 0 : index
    %get3A_53 = arith.constant 0 : index
    %get3A_54 = vector.load %arg8[%get3A_51, %get3A_52, %get3A_53] : memref<4x2048x64xf32, #tpu.memory_space<vmem>>, vector<1x2048x64xf32>
    %get3A_55 = vector.shape_cast %get3A_54 : vector<1x2048x64xf32> to vector<2048x64xf32>
    %get3A_56 = arith.constant 0 : index
    %get3A_57 = arith.constant 0 : index
    %get3A_58 = arith.constant 0 : index
    %get3A_59 = vector.load %arg9[%get3A_56, %get3A_57, %get3A_58] : memref<4x2048x64xf32, #tpu.memory_space<vmem>>, vector<1x2048x64xf32>
    %get3A_60 = vector.shape_cast %get3A_59 : vector<1x2048x64xf32> to vector<2048x64xf32>
    %mul3A_61 = arith.mulf %get3A_55, %get3A_60 : vector<2048x64xf32>
    %sub3A_62 = arith.constant 1.000000e+00 : f32
    %sub3A_63 = vector.broadcast %sub3A_62 : f32 to vector<2048x64xf32>
    %sub3A_64 = arith.subf %sub3A_63, %get3A_55 : vector<2048x64xf32>
    %mul3A_65 = arith.mulf %sub3A_64, %tanh3A : vector<2048x64xf32>
    %add3A_66 = arith.addf %mul3A_61, %mul3A_65 : vector<2048x64xf32>
    %swap3A = arith.constant 0 : index
    %swap3A_67 = arith.constant 0 : index
    %swap3A_68 = arith.constant 0 : index
    %swap3A_69 = vector.load %arg10[%swap3A, %swap3A_67, %swap3A_68] : memref<4x2048x64xf32, #tpu.memory_space<vmem>>, vector<1x2048x64xf32>
    %swap3A_70 = vector.shape_cast %swap3A_69 : vector<1x2048x64xf32> to vector<2048x64xf32>
    %swap3A_71 = vector.shape_cast %add3A_66 : vector<2048x64xf32> to vector<1x2048x64xf32>
    tpu.vector_store %arg10[%swap3A, %swap3A_67, %swap3A_68], %swap3A_71 {strides = array<i32>} : memref<4x2048x64xf32, #tpu.memory_space<vmem>>, vector<1x2048x64xf32>,
    %slice3A_72 = vector.extract_strided_slice %get3A_7 {offsets = [0, 64], sizes = [2048, 64], strides = [1, 1]} : vector<2048x256xbf16> to vector<2048x64xbf16>
    %slice3A_73 = vector.extract_strided_slice %convert_element_type3A {offsets = [0, 64], sizes = [2048, 64], strides = [1, 1]} : vector<2048x256xbf16> to vector<2048x64xbf16>
    %slice3A_74 = vector.extract_strided_slice %convert_element_type3A_24 {offsets = [0, 64], sizes = [2048, 64], strides = [1, 1]} : vector<2048x256xbf16> to vector<2048x64xbf16>
    %slice3A_75 = vector.extract_strided_slice %convert_element_type3A_16 {offsets = [0, 64], sizes = [2048, 64], strides = [1, 1]} : vector<2048x256xbf16> to vector<2048x64xbf16>
    %slice3A_76 = vector.extract_strided_slice %convert_element_type3A_25 {offsets = [0, 64], sizes = [2048, 64], strides = [1, 1]} : vector<2048x256xbf16> to vector<2048x64xbf16>
    %concatenate3A_77 = tpu.concatenate %slice3A_72, %slice3A_73, %slice3A_74, %slice3A_75, %slice3A_76 in 1 : vector<2048x64xbf16>, vector<2048x64xbf16>, vector<2048x64xbf16>, vector<2048x64xbf16>, vector<2048x64xbf16> -> vector<2048x320xbf16>
    %get3A_78 = arith.constant 1 : index
    %get3A_79 = arith.constant 0 : index
    %get3A_80 = arith.constant 0 : index
    %get3A_81 = vector.load %arg3[%get3A_78, %get3A_79, %get3A_80] : memref<4x2048x10xbf16, #tpu.memory_space<vmem>>, vector<1x2048x10xbf16>
    %get3A_82 = vector.shape_cast %get3A_81 : vector<1x2048x10xbf16> to vector<2048x10xbf16>
    %dot_general3A_83 = arith.constant dense<0.000000e+00> : vector<2048x64xf32>
    %dot_general3A_84 = tpu.matmul %get3A_82, %get3A_28, %dot_general3A_83 {dimension_numbers = #tpu.dot_dimension_numbers<[1], [0], [0], [1], [0, 0, 1, 1], [], []>, transpose_lhs_hint = false} : vector<2048x10xbf16>, vector<10x64xbf16>, vector<2048x64xf32> -> vector<2048x64xf32>
    %add3A_85 = vector.broadcast %get3A_31 : vector<1x64xf32> to vector<2048x64xf32>
    %add3A_86 = arith.addf %add3A_85, %dot_general3A_84 : vector<2048x64xf32>
    %dot_general3A_87 = arith.constant dense<0.000000e+00> : vector<2048x64xf32>
    %dot_general3A_88 = tpu.matmul %concatenate3A_77, %reshape3A, %dot_general3A_87 {dimension_numbers = #tpu.dot_dimension_numbers<[1], [0], [0], [1], [0, 0, 1, 1], [], []>, transpose_lhs_hint = false} : vector<2048x320xbf16>, vector<320x64xbf16>, vector<2048x64xf32> -> vector<2048x64xf32>
    %add3A_89 = arith.addf %add3A_86, %dot_general3A_88 : vector<2048x64xf32>
    %tanh3A_90 = math.tanh %add3A_89 : vector<2048x64xf32>
    %get3A_91 = arith.constant 1 : index
    %get3A_92 = arith.constant 0 : index
    %get3A_93 = arith.constant 0 : index
    %get3A_94 = vector.load %arg8[%get3A_91, %get3A_92, %get3A_93] : memref<4x2048x64xf32, #tpu.memory_space<vmem>>, vector<1x2048x64xf32>
    %get3A_95 = vector.shape_cast %get3A_94 : vector<1x2048x64xf32> to vector<2048x64xf32>
    %get3A_96 = arith.constant 1 : index
    %get3A_97 = arith.constant 0 : index
    %get3A_98 = arith.constant 0 : index
    %get3A_99 = vector.load %arg9[%get3A_96, %get3A_97, %get3A_98] : memref<4x2048x64xf32, #tpu.memory_space<vmem>>, vector<1x2048x64xf32>
    %get3A_100 = vector.shape_cast %get3A_99 : vector<1x2048x64xf32> to vector<2048x64xf32>
    %mul3A_101 = arith.mulf %get3A_95, %get3A_100 : vector<2048x64xf32>
    %sub3A_102 = arith.constant 1.000000e+00 : f32
    %sub3A_103 = vector.broadcast %sub3A_102 : f32 to vector<2048x64xf32>
    %sub3A_104 = arith.subf %sub3A_103, %get3A_95 : vector<2048x64xf32>
    %mul3A_105 = arith.mulf %sub3A_104, %tanh3A_90 : vector<2048x64xf32>
    %add3A_106 = arith.addf %mul3A_101, %mul3A_105 : vector<2048x64xf32>
    %swap3A_107 = arith.constant 1 : index
    %swap3A_108 = arith.constant 0 : index
    %swap3A_109 = arith.constant 0 : index
    %swap3A_110 = vector.load %arg10[%swap3A_107, %swap3A_108, %swap3A_109] : memref<4x2048x64xf32, #tpu.memory_space<vmem>>, vector<1x2048x64xf32>
    %swap3A_111 = vector.shape_cast %swap3A_110 : vector<1x2048x64xf32> to vector<2048x64xf32>
    %swap3A_112 = vector.shape_cast %add3A_106 : vector<2048x64xf32> to vector<1x2048x64xf32>
    tpu.vector_store %arg10[%swap3A_107, %swap3A_108, %swap3A_109], %swap3A_112 {strides = array<i32>} : memref<4x2048x64xf32, #tpu.memory_space<vmem>>, vector<1x2048x64xf32>,
    %slice3A_113 = vector.extract_strided_slice %get3A_7 {offsets = [0, 128], sizes = [2048, 64], strides = [1, 1]} : vector<2048x256xbf16> to vector<2048x64xbf16>
    %slice3A_114 = vector.extract_strided_slice %convert_element_type3A {offsets = [0, 128], sizes = [2048, 64], strides = [1, 1]} : vector<2048x256xbf16> to vector<2048x64xbf16>
    %slice3A_115 = vector.extract_strided_slice %convert_element_type3A_24 {offsets = [0, 128], sizes = [2048, 64], strides = [1, 1]} : vector<2048x256xbf16> to vector<2048x64xbf16>
    %slice3A_116 = vector.extract_strided_slice %convert_element_type3A_16 {offsets = [0, 128], sizes = [2048, 64], strides = [1, 1]} : vector<2048x256xbf16> to vector<2048x64xbf16>
    %slice3A_117 = vector.extract_strided_slice %convert_element_type3A_25 {offsets = [0, 128], sizes = [2048, 64], strides = [1, 1]} : vector<2048x256xbf16> to vector<2048x64xbf16>
    %concatenate3A_118 = tpu.concatenate %slice3A_113, %slice3A_114, %slice3A_115, %slice3A_116, %slice3A_117 in 1 : vector<2048x64xbf16>, vector<2048x64xbf16>, vector<2048x64xbf16>, vector<2048x64xbf16>, vector<2048x64xbf16> -> vector<2048x320xbf16>
    %get3A_119 = arith.constant 2 : index
    %get3A_120 = arith.constant 0 : index
    %get3A_121 = arith.constant 0 : index
    %get3A_122 = vector.load %arg3[%get3A_119, %get3A_120, %get3A_121] : memref<4x2048x10xbf16, #tpu.memory_space<vmem>>, vector<1x2048x10xbf16>
    %get3A_123 = vector.shape_cast %get3A_122 : vector<1x2048x10xbf16> to vector<2048x10xbf16>
    %dot_general3A_124 = arith.constant dense<0.000000e+00> : vector<2048x64xf32>
    %dot_general3A_125 = tpu.matmul %get3A_123, %get3A_28, %dot_general3A_124 {dimension_numbers = #tpu.dot_dimension_numbers<[1], [0], [0], [1], [0, 0, 1, 1], [], []>, transpose_lhs_hint = false} : vector<2048x10xbf16>, vector<10x64xbf16>, vector<2048x64xf32> -> vector<2048x64xf32>
    %add3A_126 = vector.broadcast %get3A_31 : vector<1x64xf32> to vector<2048x64xf32>
    %add3A_127 = arith.addf %add3A_126, %dot_general3A_125 : vector<2048x64xf32>
    %dot_general3A_128 = arith.constant dense<0.000000e+00> : vector<2048x64xf32>
    %dot_general3A_129 = tpu.matmul %concatenate3A_118, %reshape3A, %dot_general3A_128 {dimension_numbers = #tpu.dot_dimension_numbers<[1], [0], [0], [1], [0, 0, 1, 1], [], []>, transpose_lhs_hint = false} : vector<2048x320xbf16>, vector<320x64xbf16>, vector<2048x64xf32> -> vector<2048x64xf32>
    %add3A_130 = arith.addf %add3A_127, %dot_general3A_129 : vector<2048x64xf32>
    %tanh3A_131 = math.tanh %add3A_130 : vector<2048x64xf32>
    %get3A_132 = arith.constant 2 : index
    %get3A_133 = arith.constant 0 : index
    %get3A_134 = arith.constant 0 : index
    %get3A_135 = vector.load %arg8[%get3A_132, %get3A_133, %get3A_134] : memref<4x2048x64xf32, #tpu.memory_space<vmem>>, vector<1x2048x64xf32>
    %get3A_136 = vector.shape_cast %get3A_135 : vector<1x2048x64xf32> to vector<2048x64xf32>
    %get3A_137 = arith.constant 2 : index
    %get3A_138 = arith.constant 0 : index
    %get3A_139 = arith.constant 0 : index
    %get3A_140 = vector.load %arg9[%get3A_137, %get3A_138, %get3A_139] : memref<4x2048x64xf32, #tpu.memory_space<vmem>>, vector<1x2048x64xf32>
    %get3A_141 = vector.shape_cast %get3A_140 : vector<1x2048x64xf32> to vector<2048x64xf32>
    %mul3A_142 = arith.mulf %get3A_136, %get3A_141 : vector<2048x64xf32>
    %sub3A_143 = arith.constant 1.000000e+00 : f32
    %sub3A_144 = vector.broadcast %sub3A_143 : f32 to vector<2048x64xf32>
    %sub3A_145 = arith.subf %sub3A_144, %get3A_136 : vector<2048x64xf32>
    %mul3A_146 = arith.mulf %sub3A_145, %tanh3A_131 : vector<2048x64xf32>
    %add3A_147 = arith.addf %mul3A_142, %mul3A_146 : vector<2048x64xf32>
    %swap3A_148 = arith.constant 2 : index
    %swap3A_149 = arith.constant 0 : index
    %swap3A_150 = arith.constant 0 : index
    %swap3A_151 = vector.load %arg10[%swap3A_148, %swap3A_149, %swap3A_150] : memref<4x2048x64xf32, #tpu.memory_space<vmem>>, vector<1x2048x64xf32>
    %swap3A_152 = vector.shape_cast %swap3A_151 : vector<1x2048x64xf32> to vector<2048x64xf32>
    %swap3A_153 = vector.shape_cast %add3A_147 : vector<2048x64xf32> to vector<1x2048x64xf32>
    tpu.vector_store %arg10[%swap3A_148, %swap3A_149, %swap3A_150], %swap3A_153 {strides = array<i32>} : memref<4x2048x64xf32, #tpu.memory_space<vmem>>, vector<1x2048x64xf32>,
    %slice3A_154 = vector.extract_strided_slice %get3A_7 {offsets = [0, 192], sizes = [2048, 64], strides = [1, 1]} : vector<2048x256xbf16> to vector<2048x64xbf16>
    %slice3A_155 = vector.extract_strided_slice %convert_element_type3A {offsets = [0, 192], sizes = [2048, 64], strides = [1, 1]} : vector<2048x256xbf16> to vector<2048x64xbf16>
    %slice3A_156 = vector.extract_strided_slice %convert_element_type3A_24 {offsets = [0, 192], sizes = [2048, 64], strides = [1, 1]} : vector<2048x256xbf16> to vector<2048x64xbf16>
    %slice3A_157 = vector.extract_strided_slice %convert_element_type3A_16 {offsets = [0, 192], sizes = [2048, 64], strides = [1, 1]} : vector<2048x256xbf16> to vector<2048x64xbf16>
    %slice3A_158 = vector.extract_strided_slice %convert_element_type3A_25 {offsets = [0, 192], sizes = [2048, 64], strides = [1, 1]} : vector<2048x256xbf16> to vector<2048x64xbf16>
    %concatenate3A_159 = tpu.concatenate %slice3A_154, %slice3A_155, %slice3A_156, %slice3A_157, %slice3A_158 in 1 : vector<2048x64xbf16>, vector<2048x64xbf16>, vector<2048x64xbf16>, vector<2048x64xbf16>, vector<2048x64xbf16> -> vector<2048x320xbf16>
    %get3A_160 = arith.constant 3 : index
    %get3A_161 = arith.constant 0 : index
    %get3A_162 = arith.constant 0 : index
    %get3A_163 = vector.load %arg3[%get3A_160, %get3A_161, %get3A_162] : memref<4x2048x10xbf16, #tpu.memory_space<vmem>>, vector<1x2048x10xbf16>
    %get3A_164 = vector.shape_cast %get3A_163 : vector<1x2048x10xbf16> to vector<2048x10xbf16>
    %dot_general3A_165 = arith.constant dense<0.000000e+00> : vector<2048x64xf32>
    %dot_general3A_166 = tpu.matmul %get3A_164, %get3A_28, %dot_general3A_165 {dimension_numbers = #tpu.dot_dimension_numbers<[1], [0], [0], [1], [0, 0, 1, 1], [], []>, transpose_lhs_hint = false} : vector<2048x10xbf16>, vector<10x64xbf16>, vector<2048x64xf32> -> vector<2048x64xf32>
    %add3A_167 = vector.broadcast %get3A_31 : vector<1x64xf32> to vector<2048x64xf32>
    %add3A_168 = arith.addf %add3A_167, %dot_general3A_166 : vector<2048x64xf32>
    %dot_general3A_169 = arith.constant dense<0.000000e+00> : vector<2048x64xf32>
    %dot_general3A_170 = tpu.matmul %concatenate3A_159, %reshape3A, %dot_general3A_169 {dimension_numbers = #tpu.dot_dimension_numbers<[1], [0], [0], [1], [0, 0, 1, 1], [], []>, transpose_lhs_hint = false} : vector<2048x320xbf16>, vector<320x64xbf16>, vector<2048x64xf32> -> vector<2048x64xf32>
    %add3A_171 = arith.addf %add3A_168, %dot_general3A_170 : vector<2048x64xf32>
    %tanh3A_172 = math.tanh %add3A_171 : vector<2048x64xf32>
    %get3A_173 = arith.constant 3 : index
    %get3A_174 = arith.constant 0 : index
    %get3A_175 = arith.constant 0 : index
    %get3A_176 = vector.load %arg8[%get3A_173, %get3A_174, %get3A_175] : memref<4x2048x64xf32, #tpu.memory_space<vmem>>, vector<1x2048x64xf32>
    %get3A_177 = vector.shape_cast %get3A_176 : vector<1x2048x64xf32> to vector<2048x64xf32>
    %get3A_178 = arith.constant 3 : index
    %get3A_179 = arith.constant 0 : index
    %get3A_180 = arith.constant 0 : index
    %get3A_181 = vector.load %arg9[%get3A_178, %get3A_179, %get3A_180] : memref<4x2048x64xf32, #tpu.memory_space<vmem>>, vector<1x2048x64xf32>
    %get3A_182 = vector.shape_cast %get3A_181 : vector<1x2048x64xf32> to vector<2048x64xf32>
    %mul3A_183 = arith.mulf %get3A_177, %get3A_182 : vector<2048x64xf32>
    %sub3A_184 = arith.constant 1.000000e+00 : f32
    %sub3A_185 = vector.broadcast %sub3A_184 : f32 to vector<2048x64xf32>
    %sub3A_186 = arith.subf %sub3A_185, %get3A_177 : vector<2048x64xf32>
    %mul3A_187 = arith.mulf %sub3A_186, %tanh3A_172 : vector<2048x64xf32>
    %add3A_188 = arith.addf %mul3A_183, %mul3A_187 : vector<2048x64xf32>
    %swap3A_189 = arith.constant 3 : index
    %swap3A_190 = arith.constant 0 : index
    %swap3A_191 = arith.constant 0 : index
    %swap3A_192 = vector.load %arg10[%swap3A_189, %swap3A_190, %swap3A_191] : memref<4x2048x64xf32, #tpu.memory_space<vmem>>, vector<1x2048x64xf32>
    %swap3A_193 = vector.shape_cast %swap3A_192 : vector<1x2048x64xf32> to vector<2048x64xf32>
    %swap3A_194 = vector.shape_cast %add3A_188 : vector<2048x64xf32> to vector<1x2048x64xf32>
    tpu.vector_store %arg10[%swap3A_189, %swap3A_190, %swap3A_191], %swap3A_194 {strides = array<i32>} : memref<4x2048x64xf32, #tpu.memory_space<vmem>>, vector<1x2048x64xf32>,
    return
  }
  func.func @transform_0(%arg0: i32) -> (i32, i32) {
    %c0_i32 = arith.constant 0 : i32
    %c0_i32_0 = arith.constant 0 : i32
    %c0_i32_1 = arith.constant 0 : i32
    return %c0_i32, %c0_i32_0 : i32, i32
  }
  func.func @transform_1(%arg0: i32) -> (i32, i32) {
    %c0_i32 = arith.constant 0 : i32
    %c0_i32_0 = arith.constant 0 : i32
    %c0_i32_1 = arith.constant 0 : i32
    return %c0_i32, %c0_i32_0 : i32, i32
  }
  func.func @transform_2(%arg0: i32) -> (i32, i32, i32) {
    %c0_i32 = arith.constant 0 : i32
    %c0_i32_0 = arith.constant 0 : i32
    %c0_i32_1 = arith.constant 0 : i32
    return %arg0, %c0_i32, %c0_i32_0 : i32, i32, i32
  }
  func.func @transform_3(%arg0: i32) -> (i32, i32) {
    %c0_i32 = arith.constant 0 : i32
    %c0_i32_0 = arith.constant 0 : i32
    %c0_i32_1 = arith.constant 0 : i32
    return %c0_i32, %c0_i32_0 : i32, i32
  }
  func.func @transform_4(%arg0: i32) -> (i32, i32, i32) {
    %c0_i32 = arith.constant 0 : i32
    %c0_i32_0 = arith.constant 0 : i32
    %c0_i32_1 = arith.constant 0 : i32
    %c0_i32_2 = arith.constant 0 : i32
    return %c0_i32, %c0_i32_0, %c0_i32_1 : i32, i32, i32
  }
  func.func @transform_5(%arg0: i32) -> (i32, i32) {
    %c0_i32 = arith.constant 0 : i32
    %c0_i32_0 = arith.constant 0 : i32
    %c0_i32_1 = arith.constant 0 : i32
    return %c0_i32, %c0_i32_0 : i32, i32
  }
  func.func @transform_6(%arg0: i32) -> (i32, i32) {
    %c0_i32 = arith.constant 0 : i32
    %c0_i32_0 = arith.constant 0 : i32
    return %c0_i32, %arg0 : i32, i32
  }
  func.func @transform_7(%arg0: i32) -> (i32, i32, i32) {
    %c0_i32 = arith.constant 0 : i32
    %c0_i32_0 = arith.constant 0 : i32
    %c0_i32_1 = arith.constant 0 : i32
    return %arg0, %c0_i32, %c0_i32_0 : i32, i32, i32
  }
  func.func @transform_8(%arg0: i32) -> (i32, i32, i32) {
    %c0_i32 = arith.constant 0 : i32
    %c0_i32_0 = arith.constant 0 : i32
    %c0_i32_1 = arith.constant 0 : i32
    return %arg0, %c0_i32, %c0_i32_0 : i32, i32, i32
  }
  func.func @transform_9(%arg0: i32) -> (i32, i32, i32) {
    %c0_i32 = arith.constant 0 : i32
    %c0_i32_0 = arith.constant 0 : i32
    %c0_i32_1 = arith.constant 0 : i32
    return %arg0, %c0_i32, %c0_i32_0 : i32, i32, i32
  }
}

</mosaic_0001>

<sc_bundles>
// kernel: kernel.6.cloned.1.call-start
scs
__scs_entry_jumppad:
0x0: {  	(pc) =	sbr.rel $0x88, $3  }
0x1: {  	(tag) =	ssettag $0x0;
	lr =	simm.s32 $0x1  }
0x2: {  	[smem:$0x3F95] =	sst lr;
	_ =	strace $0xD0000000  }
0x3: {  	_ = 	snop  }
0x4: {  	_ = 	snop  }
0x5: {  	_ = 	snop  }
0x6: {  	_ = 	snop  }
0x7: {  	_ = 	snop  }
__scs_overlays_trampoline_lowered:
0x8: {  	[smem:$0x3FA4] =	sst s0  }
0x9: {  	[smem:$0x3FA5] =	sst s1  }
0xa: {  	[smem:$0x3FA6] =	sst s2  }
0xb: {  	[smem:$0x3FA7] =	sst s3  }
0xc: {  	[smem:$0x3FA8] =	sst s4  }
0xd: {  	[smem:$0x3FA9] =	sst s5  }
0xe: {  	[smem:$0x3FAA] =	sst s6  }
0xf: {  	[smem:$0x3FAB] =	sst s7  }
0x10: {  	[smem:$0x3FAC] =	sst s8  }
0x11: {  	[smem:$0x3FAD] =	sst s9;
	s0 =	simm.s32 @!p0 $0x0  }
0x12: {  	s1 =	sld [smem:$0x3F93];
	s0 =	simm.s32 @p0 $0x1  }
0x13: {  	[smem:$0x3FAE] =	sst s0;
	s0 =	simm.s32 @!p1 $0x0  }
0x14: {  	s2 =	sld [smem:$0x3F92];
	s0 =	simm.s32 @p1 $0x1  }
0x15: {  	[smem:$0x3FAF] =	sst s0;
	s0 =	simm.s32 @!p2 $0x0  }
0x16: {  	s3 =	sld [smem:$0x3FDB];
	s0 =	simm.s32 @p2 $0x1  }
0x17: {  	s4 =	simm.s32 $0x1BF5;
	[smem:$0x3FB1] =	sst s0  }
0x18: {  	s0 =	sld [smem:$0x3F94];
	_ =	swait.ge [sflag:s4], $0x0  }
0x19: {  	s7 =	sld [smem:$0x3F95]  }
0x1a: {  	s8 =	sadd.s32 $0xFFFFE003, lr  }
0x1b: {  	s9 =	sadd.s32 $0xFFFFFEF7, lr;
	s5 =	simm.s32 $0xFFFFFFFF;
	p2 =	slt.u32 s8, $0xFFFFF086  }
0x1c: {  	p1 =	slt.u32 s9, $0xF7A;
	s5 =	simm.s32 @!p2 $0x0  }
0x1d: {  	s5 =	simm.s32 @p1 $0x1;
	p0 =	seq.s32 s7, s2  }
0x1e: {  	s7 =	smul.u32 @!p0 $0xF7A, s2;
	p2 =	seq.s32 @!p0 s5, $0x0  }
0x1f: {  	s9 =	smul.u32 $0xF7A, s1;
	s8 =	simm.s32 @!p0 $0x1BF5;
	p2 =	por !p2, p0  }
0x20: {  	[sflag:s8] =	ssyncset.s32 @!p0 $0xFFFFF086;
	s6 =	sadd.s32 @!p0 s3, s7;
	s7 =	simm.s32 @!p0 $0x108  }
0x21: {  	s3 =	sadd.s32 s3, s9;
	s6 =	sadd.s32 @!p0 $0x88, s6;
	s7 =	simm.s32 @p2 $0x1082  }
0x22: {  	[simem:s7], [sflag:s8] =	dma.local @!p0 [hbm:s6], $0xF7A  }
0x23: {  	s9 =	sor.u32 $0xD0000000, s2;
	s6 =	simm.s32 $0x108;
	_ =	swait.ge @!p0 [sflag:s8], $0x0  }
0x24: {  	s3 =	sadd.s32 $0x88, s3;
	s6 =	simm.s32 @!p1 $0x1082;
	[sflag:s4] =	ssyncset.s32 $0xFFFFF086  }
0x25: {  	[simem:s6], [sflag:s4] =	dma.local [hbm:s3], $0xF7A  }
0x26: {  	[smem:$0x3F95] =	sst s1;
	(tag) =	ssettag s2;
	_ =	strace s9  }
0x27: {  	s1 =	sld [smem:$0x3FA5]  }
0x28: {  	s2 =	sld [smem:$0x3FA6]  }
0x29: {  	s4 =	sld [smem:$0x3FA8]  }
0x2a: {  	p0 =	seq.s32 s5, $0x0;
	s5 =	sld [smem:$0x3FA9]  }
0x2b: {  	s6 =	sld [smem:$0x3FAA]  }
0x2c: {  	s7 =	sld [smem:$0x3FAB]  }
0x2d: {  	s3 =	simm.s32 $0x108;
	s8 =	sld [smem:$0x3FAC]  }
0x2e: {  	s3 =	simm.s32 @!p0 $0x1082;
	s9 =	sld [smem:$0x3FAD]  }
0x2f: {  	lr =	sadd.s32 s0, s3;
	s0 =	sld [smem:$0x3FA4]  }
0x30: {  	s3 =	sld [smem:$0x3FA7]  }
0x31: {  	[smem:$0x3FB0] =	sst s10  }
0x32: {  	s10 =	sld [smem:$0x3FAE];
	_ =	sdelay $0x3  }
0x33: {  	p0 =	seq.s32 s10, $0x1;
	s10 =	sld [smem:$0x3FB0];
	_ =	sdelay $0x3  }
0x34: {  	[smem:$0x3FB0] =	sst s10  }
0x35: {  	s10 =	sld [smem:$0x3FAF];
	_ =	sdelay $0x3  }
0x36: {  	p1 =	seq.s32 s10, $0x1;
	s10 =	sld [smem:$0x3FB0];
	_ =	sdelay $0x3  }
0x37: {  	[smem:$0x3FB0] =	sst s10  }
0x38: {  	s10 =	sld [smem:$0x3FB1]  }
0x39: {  	_ = 	snop;
	(pc) =	sbr.ind lr, $3  }
0x3a: {  	_ = 	snop  }
0x3b: {  	_ = 	snop  }
0x3c: {  	p2 =	seq.s32 s10, $0x1;
	s10 =	sld [smem:$0x3FB0]  }
0x3d: {  	_ =	shalt  }
0x3e: {  	_ =	shalt  }
0x3f: {  	_ =	shalt  }
0x40: {  	_ =	shalt  }
0x41: {  	_ =	shalt  }
0x42: {  	_ =	shalt  }
0x43: {  	_ =	shalt  }
0x44: {  	_ =	shalt  }
0x45: {  	_ =	shalt  }
0x46: {  	_ =	shalt  }
0x47: {  	_ =	shalt  }
0x48: {  	_ =	shalt  }
0x49: {  	_ =	shalt  }
0x4a: {  	_ =	shalt  }
0x4b: {  	_ =	shalt  }
0x4c: {  	_ =	shalt  }
0x4d: {  	_ =	shalt  }
0x4e: {  	_ =	shalt  }
0x4f: {  	_ =	shalt  }
0x50: {  	_ =	shalt  }
0x51: {  	_ =	shalt  }
0x52: {  	_ =	shalt  }
0x53: {  	_ =	shalt  }
0x54: {  	_ =	shalt  }
0x55: {  	_ =	shalt  }
0x56: {  	_ =	shalt  }
0x57: {  	_ =	shalt  }
0x58: {  	_ =	shalt  }
0x59: {  	_ =	shalt  }
0x5a: {  	_ =	shalt  }
0x5b: {  	_ =	shalt  }
0x5c: {  	_ =	shalt  }
0x5d: {  	_ =	shalt  }
0x5e: {  	_ =	shalt  }
0x5f: {  	_ =	shalt  }
0x60: {  	_ =	shalt  }
0x61: {  	_ =	shalt  }
0x62: {  	_ =	shalt  }
0x63: {  	_ =	shalt  }
0x64: {  	_ =	shalt  }
0x65: {  	_ =	shalt  }
0x66: {  	_ =	shalt  }
0x67: {  	_ =	shalt  }
0x68: {  	_ =	shalt  }
0x69: {  	_ =	shalt  }
0x6a: {  	_ =	shalt  }
0x6b: {  	_ =	shalt  }
0x6c: {  	_ =	shalt  }
0x6d: {  	_ =	shalt  }
0x6e: {  	_ =	shalt  }
0x6f: {  	_ =	shalt  }
0x70: {  	_ =	shalt  }
0x71: {  	_ =	shalt  }
0x72: {  	_ =	shalt  }
0x73: {  	_ =	shalt  }
0x74: {  	_ =	shalt  }
0x75: {  	_ =	shalt  }
0x76: {  	_ =	shalt  }
0x77: {  	_ =	shalt  }
0x78: {  	_ =	shalt  }
0x79: {  	_ =	shalt  }
0x7a: {  	_ =	shalt  }
0x7b: {  	_ =	shalt  }
0x7c: {  	_ =	shalt  }
0x7d: {  	_ =	shalt  }
0x7e: {  	_ =	shalt  }
0x7f: {  	_ =	shalt  }
0x80: {  	_ =	shalt  }
0x81: {  	_ =	shalt  }
0x82: {  	_ =	shalt  }
0x83: {  	_ =	shalt  }
0x84: {  	_ =	shalt  }
0x85: {  	_ =	shalt  }
0x86: {  	_ =	shalt  }
0x87: {  	_ =	shalt  }
.Lfunc_end0:
.L_simem_size_0:
called_computation_lowered:
.L_overlay_start_0:
0x88: {  	s2 =	sld [smem:$0x3FD9]  }
0x89: {  	s3 =	sld [smem:$0x3FFE];
	_ =	sdelay $0x1  }
0x8a: {  	s1 =	srdreg.scid  }
0x8b: {  	s0 =	sand.u32 $0x1, s1  }
0x8c: {  	s17 =	sshll.u32 s0, $0xA;
	s2 =	sadd.s32 s3, s2  }
0x8d: {  	s2 =	sadd.s32 s2, s17  }
0x8e: {  	[smem:$0x3FBC] =	sst s2  }
0x8f: {  	_ = 	snop  }
0x90: {  	s2 =	sld [smem:$0x3FC3]  }
0x91: {  	s18 =	sld [smem:$0x3FC2]  }
0x92: {  	s4 =	sld [smem:$0x3FC1]  }
0x93: {  	s5 =	sld [smem:$0x3FC0]  }
0x94: {  	s6 =	sld [smem:$0x3FBF]  }
0x95: {  	s7 =	sld [smem:$0x3FBE]  }
0x96: {  	s8 =	sld [smem:$0x3FD0];
	(tm) =	ssettm $0x1  }
0x97: {  	s9 =	sld [smem:$0x3FFB];
	_ =	sdelay $0x3  }
0x98: {  	_ =	strace s9  }
0x99: {  	s9 =	sld [smem:$0x3FFC];
	_ =	sdelay $0x3  }
0x9a: {  	_ =	strace s9  }
0x9b: {  	s9 =	sld [smem:$0x3FFD];
	_ =	sdelay $0x3  }
0x9c: {  	_ =	strace s9  }
0x9d: {  	_ =	strace $0x8FFFFFFF  }
0x9e: {  	s19 =	sld [smem:$0x3FDB];
	_ =	sdelay $0x1  }
0x9f: {  	s10 =	simm.s32 $_scs_section_size  }
0xa0: {  	s11 =	simm.s32 $_size__tile_overlayer_lowered;
	s12 =	simm.s32 $_tile_overlayer_lowered  }
0xa1: {  	s22 =	simm.s32 $0x1BFF;
	s21 =	sshll.u32 s12, $0x1;
	s9 =	sadd.s32 s10, s19  }
0xa2: {  	s13 =	simm.s32 $0x0;
	s20 =	sshll.u32 s11, $0x1;
	s11 =	sadd.s32 s21, s9  }
0xa3: {  	[timem:s13], [sflag:s22] =	dma.local [hbm:s11], s20  }
0xa4: {  	_ =	swait.ge [sflag:s22], s20  }
0xa5: {  	s10 =	ssub.s32 $0x0, s20;
	[sflag:s22] =	ssyncset.done $0x0  }
0xa6: {  	[sflag:s22] =	ssyncadd.s32 s10;
	_ =	sdelay $0x1  }
0xa7: {  	s23 =	simm.s32 $0x1B8B  }
0xa8: {  	_ =	swait.ge [sflag:s23], $0x1  }
0xa9: {  	[sflag:s23] =	ssyncset.done $0x0  }
0xaa: {  	s25 =	simm.s32 $0x1B8E;
	s24 =	sld [smem:$0x3FFE];
	[sflag:s23] =	ssyncadd.s32 $0xFFFFFFFF  }
0xab: {  	s26 =	simm.s32 $execute0_lowered;
	[smem:$0x3FD2] =	sst s25  }
0xac: {  	s11 =	sshll.u32 s26, $0x1;
	_ =	strace $0x80000046;
	[dreg:$0x1] =	wrdreg $0xFFFFFFFF  }
0xad: {  	s28 =	simm.s32 $_size_execute0_lowered;
	s9 =	sadd.s32 s9, s11;
	[dreg:$0x0] =	wrdreg $0x0  }
0xae: {  	s11 =	sshll.u32 s28, $0x1;
	[dreg:$0x2] =	wrdreg s9  }
0xaf: {  	[dreg:$0x3] =	wrdreg s11  }
0xb0: {  	[dreg:$0x4] =	wrdreg $0xC0  }
0xb1: {  	_ =	task [dreg:s13], $0x5FFFF  }
0xb2: {  	[dreg:$0x1] =	wrdreg $0xFFFFFFFF  }
0xb3: {  	[dreg:$0x0] =	wrdreg $0x60  }
0xb4: {  	[dreg:$0x2] =	wrdreg s2  }
0xb5: {  	[dreg:$0x3] =	wrdreg s18  }
0xb6: {  	[dreg:$0x4] =	wrdreg s4  }
0xb7: {  	[dreg:$0x5] =	wrdreg s5  }
0xb8: {  	[dreg:$0x6] =	wrdreg s6  }
0xb9: {  	[dreg:$0x7] =	wrdreg s7  }
0xba: {  	[dreg:$0x8] =	wrdreg s24  }
0xbb: {  	[dreg:$0x9] =	wrdreg s8  }
0xbc: {  	[dreg:$0xa] =	wrdreg $0x9  }
0xbd: {  	_ =	task.clear_ibuf [dreg:s13], $0xBFFFF;
	_ =	strace $0x90000046  }
0xbe: {  	s29 =	simm.s32 $0x9;
	_ =	strace $0x80000048  }
0xbf: {  	_ =	swait.ge [sflag:s29], $0x1  }
0xc0: {  	[sflag:s29] =	ssyncadd.s32 $0xFFFFFFFF  }
0xc1: {  	_ =	strace $0x90000048  }
0xc2: {  	_ =	sfence  }
0xc3: {  	s30 =	sld [smem:$0x0];
	_ =	sdelay $0x2  }
0xc4: {  	s31 =	sshll.u32 s1, $0xD;
	s1 =	sshrl.u32 s1, $0x2  }
0xc5: {  	s3 =	sand.u32 $0x4000, s31;
	s1 =	sadd.s32 s1, s30  }
0xc6: {  	s0 =	sor.u32 s3, s0;
	s1 =	sshll.u32 s1, $0x11  }
0xc7: {  	s0 =	sor.u32 s1, s0  }
0xc8: {  	s0 =	sadd.s32 $0x8F2B, s0  }
0xc9: {  	[sflag:s0] =	ssyncadd.remote.s32 $0x1  }
0xca: {  	_ =	sfence.sel $0xFFFF  }
0xcb: {  	[dreg:$0x0] =	wrdreg $0xFFFFFFFF;
	(pc) =	sbr.abs _section_cstart, $3  }
0xcc: {  	[dreg:$0x1] =	wrdreg $0xFFFFFFFF  }
0xcd: {  	_ =	task.clear_ibuf [dreg:s13], $0x2FFFF;
	_ =	strace $0x9FFFFFFF  }
0xce: {  	(tm) =	ssettm $0x7FFFFFFF  }
0xcf: {  	_ =	shalt  }
tec
execute0_lowered:
.L_overlay_start_1:
0x0: {  	(tag) =	ssettag $0x1  }
0x1: {  	s0 =	rddreg [dreg:$0x0]  }
0x2: {  	s1 =	rddreg [dreg:$0x1]  }
0x3: {  	s3 =	rddreg [dreg:$0x2]  }
0x4: {  	s4 =	rddreg [dreg:$0x3]  }
0x5: {  	s5 =	rddreg [dreg:$0x4]  }
0x6: {  	s6 =	rddreg [dreg:$0x5]  }
0x7: {  	s11 =	rddreg [dreg:$0x6]  }
0x8: {  	s12 =	rddreg [dreg:$0x7]  }
0x9: {  	s2 =	rddreg [dreg:$0x8];
	s8 =	simm.s32 $0x0;
	s10 =	srdreg.scid  }
0xa: {  	s7 =	stileid.u32;
	[smem:$0x7FF] =	sst s8;
	s9 =	sadd.s32 $0x1200, s11  }
0xb: {  	s13 =	sand.u32 $0x1, s10;
	s14 =	sshll.u32 s7, $0x1;
	s10 =	sadd.s32 $0x1000, s11  }
0xc: {  	s30 =	sadd.s32 $0x1400, s11;
	s15 =	ssub.s32 $0x2, s13;
	s13 =	sor.u32 s13, s14  }
0xd: {  	_ =	strace $0x80000047;
	s31 =	sshrl.u32 s15, $0x1;
	s16 =	sshll.u32 s13, $0x5  }
0xe: {  	s18 =	sor.u32 $0x20, s13;
	s19 =	sshll.u32 s13, $0xD;
	s15 =	ssub.s32 s15, s31  }
0xf: {  	s17 =	sadd.s32 $0x20, s16;
	s20 =	sshll.u32 s18, $0x5;
	s21 =	sshll.u32 s18, $0xD  }
0x10: {  	v0 =	vmov s13;
	s11 =	sadd.s32 s12, s19;
	s13 =	sadd.s32 s30, s19;
	v1 =	vmov s16;
	s16 =	simm.s32 $0x13000  }
0x11: {  	v3 =	vmov s18;
	s18 =	simm.s32 $0x10000;
	s19 =	simm.s32 $0x11000;
	s22 =	sadd.s32 $0x20, s20  }
0x12: {  	v6 =	vimm.f32 $0.0e+00;
	s12 =	sadd.s32 s12, s21;
	s14 =	sadd.s32 s30, s21;
	s15 =	smax.u32 s15, $0x1  }
0x13: {  	v2 =	vmov s17;
	s17 =	simm.s32 $0x1;
	v4 =	vmov s20;
	s20 =	simm.s32 $0x12000;
	s21 =	simm.s32 $0x0;
	v5 =	vmov s22  }
.LBB2_1:
0x14: {  	[tilespmem:s16], [sflag:$0x1] =	stream.linear.gather [hbm4b:s9+s8], $0x80, $0x38;
	[tilespmem:$0x13080] =	vst v63  }
0x15: {  	_ =	swait.ge [sflag:s17], $0x80  }
0x16: {  	[sflag:s17] =	ssyncset.done $0x0  }
0x17: {  	[sflag:s17] =	ssyncadd.s32 $0xFFFFFF80  }
0x18: {  	v7 =	vld.idx.msk [tilespmem:v0+s16+$0x0], $0xffff;
	_ =	sdelay $0x4  }
0x19: {  	v7 =	vxor.u32 $0x80000000, v7  }
0x1a: {  	(xrf0) =	vmax.scan.msk.u32 $0xffff, v7;
	_ =	sdelay $0x5  }
0x1b: {  	v7, _, _ =	vpop (xrf0)  }
0x1c: {  	(v2sf) =	vpush v7, $0xF;
	_ =	sdelay $0xe  }
0x1d: {  	s22 =	spop (v2sf)  }
0x1e: {  	s22 =	sshrl.u32 s22, $0x3  }
0x1f: {  	s22 =	sand.u32 $0x1FFFFFFE, s22  }
0x20: {  	s22 =	sxor.u32 $0x10000000, s22  }
0x21: {  	s23 =	sadd.s32 s0, s22  }
0x22: {  	[tilespmem:s18], [sflag:$0x1] =	stream.linear.gather [hbm4b:s23+s8], $0x1000, $0x38;
	[tilespmem:$0x13080] =	vst v63  }
0x23: {  	_ =	swait.ge [sflag:s17], $0x1000  }
0x24: {  	[sflag:s17] =	ssyncset.done $0x0  }
0x25: {  	s31 =	sadd.s32 s1, s22;
	[sflag:s17] =	ssyncadd.s32 $0xFFFFF000  }
0x26: {  	[tilespmem:s19], [sflag:$0x1] =	stream.linear.gather [hbm4b:s31+s8], $0x1000, $0x38;
	[tilespmem:$0x13080] =	vst v63  }
0x27: {  	_ =	swait.ge [sflag:s17], $0x1000  }
0x28: {  	[sflag:s17] =	ssyncset.done $0x0  }
0x29: {  	s22 =	sadd.s32 s3, s22;
	[sflag:s17] =	ssyncadd.s32 $0xFFFFF000  }
0x2a: {  	[tilespmem:s20], [sflag:$0x1] =	stream.linear.gather [hbm4b:s22+s8], $0x1000, $0x38;
	[tilespmem:$0x13080] =	vst v63  }
0x2b: {  	_ =	swait.ge [sflag:s17], $0x1000  }
0x2c: {  	[sflag:s17] =	ssyncset.done $0x0  }
0x2d: {  	s22 =	simm.s32 $0x0;
	[sflag:s17] =	ssyncadd.s32 $0xFFFFF000  }
.LBB2_2:
0x2e: {  	s23 =	sshll.u32 s22, $0xB;
	s24 =	sshll.u32 s22, $0x7  }
0x2f: {  	s25 =	sand.u32 $0xC000, s23;
	s24 =	sand.u32 $0x380, s24;
	s23 =	simm.s32 $0x0  }
0x30: {  	s24 =	sor.u32 s24, s25;
	s31 =	sand.u32 $0x3C00, s23  }
0x31: {  	s26 =	sand.u32 $0x70, s23;
	s28 =	sadd.s32 s31, s24  }
0x32: {  	s25 =	simm.s32 $0x10;
	s26 =	sadd.s32 s26, s28  }
.LBB2_3:
0x33: {  	p0 =	sne.s32 s25, $0x7F0  }
0x34: {  	[tilespmem:s26+$0x0] =	vst v6;
	s23 =	sadd.s32 $0x80, s23;
	s26 =	smov.u32 s25;
	s25 =	sadd.s32 $0x10, s25  }
.Ltmp0:
0x35: {  	(pc) =	sbr.rel @p0 .LBB2_3-.Ltmp0, $4  }
0x36: {  	_ = 	snop  }
0x37: {  	s28 =	sand.u32 $0x3C00, s23  }
0x38: {  	s26 =	sand.u32 $0x70, s26;
	s28 =	sadd.s32 s28, s24  }
0x39: {  	s26 =	sadd.s32 s26, s28  }
0x3a: {  	s22 =	sadd.s32 $0x1, s22  }
0x3b: {  	p0 =	sne.s32 s22, $0x20  }
.Ltmp1:
0x3c: {  	_ = 	snop;
	(pc) =	sbr.rel @p0 .LBB2_2-.Ltmp1, $2  }
0x3d: {  	_ =	sdelay $0x2  }
0x3e: {  	[tilespmem:s26+$0x0] =	vst v6  }
0x3f: {  	s24 =	simm.s32 $0x0  }
0x40: {  	v7 =	vld [tilespmem:s24+$0x10000]  }
0x41: {  	v8 =	vld [tilespmem:s24+$0x11000];
	_ =	sdelay $0x3  }
0x42: {  	v9 =	vsub.s32 v7, v1  }
0x43: {  	v10 =	vshll.u32 v8, $0x3;
	v11 =	vshll.u32 v7, $0x7;
	v9 =	vshll.u32 v9, $0xB  }
0x44: {  	vm0 =	vge.s32 v7, v1;
	v10 =	vand.u32 $0xFFFFFC00, v10;
	v9 =	vand.u32 $0xFFFFC000, v9  }
0x45: {  	vm1 =	vlt.s32 v7, v2;
	v9 =	vadd.s32 v10, v9;
	v10 =	vand.u32 $0x380, v11  }
0x46: {  	v8 =	vand.u32 $0x7F, v8;
	vm0 =	vmand vm0, vm1;
	v9 =	vor.u32 v10, v9  }
0x47: {  	s22 =	simm.s32 $0x40;
	s23 =	simm.s32 $0x80;
	v7 =	vld [tilespmem:s24+$0x12000];
	v8 =	vor.u32 v8, v9  }
.LBB2_6:
0x48: {  	_ =	sdelay $0x2  }
0x49: {  	p0 =	sne.s32 s23, $0x3FC0  }
0x4a: {  	s24 =	sshra.s32 s22, $0x2;
	s22 =	smov.u32 s23;
	s23 =	sadd.s32 $0x40, s23;
	[tilespmem:v8+s8+$0x0] =	vst.idx.msk vm0, v7  }
0x4b: {  	v7 =	vld [tilespmem:s24+$0x10000]  }
0x4c: {  	v8 =	vld [tilespmem:s24+$0x11000];
	_ =	sdelay $0x3  }
0x4d: {  	vm0 =	vge.s32 v7, v1;
	v9 =	vsub.s32 v7, v1;
	v10 =	vshll.u32 v7, $0x7  }
.Ltmp2:
0x4e: {  	vm1 =	vlt.s32 v7, v2;
	v7 =	vshll.u32 v9, $0xB;
	v9 =	vshll.u32 v8, $0x3;
	(pc) =	sbr.rel @p0 .LBB2_6-.Ltmp2, $4  }
0x4f: {  	vm0 =	vmand vm0, vm1;
	v7 =	vand.u32 $0xFFFFC000, v7;
	v9 =	vand.u32 $0xFFFFFC00, v9  }
0x50: {  	v7 =	vadd.s32 v9, v7;
	v9 =	vand.u32 $0x380, v10  }
0x51: {  	v8 =	vand.u32 $0x7F, v8;
	v9 =	vor.u32 v9, v7  }
0x52: {  	v7 =	vld [tilespmem:s24+$0x12000];
	v8 =	vor.u32 v8, v9  }
0x53: {  	_ =	sdelay $0x4  }
0x54: {  	s22 =	sshra.s32 s22, $0x2;
	[tilespmem:v8+s8+$0x0] =	vst.idx.msk vm0, v7  }
0x55: {  	v7 =	vld [tilespmem:s22+$0x10000]  }
0x56: {  	v8 =	vld [tilespmem:s22+$0x11000];
	_ =	sdelay $0x3  }
0x57: {  	v9 =	vsub.s32 v7, v1  }
0x58: {  	vm15 =	vge.s32 v7, v1;
	v10 =	vshll.u32 v8, $0x3;
	v9 =	vshll.u32 v9, $0xB  }
0x59: {  	v11 =	vshll.u32 v7, $0x7;
	v10 =	vand.u32 $0xFFFFFC00, v10;
	v9 =	vand.u32 $0xFFFFC000, v9  }
0x5a: {  	vm1 =	vlt.s32 v7, v2;
	v62 =	vand.u32 $0x380, v11;
	v7 =	vadd.s32 v10, v9  }
0x5b: {  	v8 =	vand.u32 $0x7F, v8;
	vm0 =	vmand vm15, vm1;
	v7 =	vor.u32 v62, v7  }
0x5c: {  	v63 =	vld [tilespmem:s22+$0x12000];
	v7 =	vor.u32 v8, v7;
	_ =	sdelay $0x4  }
0x5d: {  	s22 =	simm.s32 $0x0;
	[tilespmem:v7+s8+$0x0] =	vst.idx.msk vm0, v63  }
0x5e: {  	[hbm4b:s11+s22] =	stream.linear.scatter [tilespmem:s22], [sflag:$0x1], $0x10000, $0x38;
	[tilespmem:$0x13080] =	vst v63  }
0x5f: {  	_ =	swait.ge [sflag:s17], $0x10000  }
0x60: {  	[sflag:s17] =	ssyncset.done $0x0  }
0x61: {  	[sflag:s17] =	ssyncadd.s32 $0xFFFF0000  }
0x62: {  	v7 =	vld.idx.msk [tilespmem:v3+s16+$0x0], $0xffff;
	_ =	sdelay $0x4  }
0x63: {  	v7 =	vxor.u32 $0x80000000, v7  }
0x64: {  	(xrf0) =	vmax.scan.msk.u32 $0xffff, v7;
	_ =	sdelay $0x5  }
0x65: {  	v7, _, _ =	vpop (xrf0)  }
0x66: {  	(v2sf) =	vpush v7, $0xF;
	_ =	sdelay $0xe  }
0x67: {  	s23 =	spop (v2sf)  }
0x68: {  	s23 =	sshrl.u32 s23, $0x3  }
0x69: {  	s23 =	sand.u32 $0x1FFFFFFE, s23  }
0x6a: {  	s23 =	sxor.u32 $0x10000000, s23  }
0x6b: {  	s24 =	sadd.s32 s0, s23  }
0x6c: {  	[tilespmem:s18], [sflag:$0x1] =	stream.linear.gather [hbm4b:s24+s22], $0x1000, $0x38;
	[tilespmem:$0x13080] =	vst v63  }
0x6d: {  	_ =	swait.ge [sflag:s17], $0x1000  }
0x6e: {  	[sflag:s17] =	ssyncset.done $0x0  }
0x6f: {  	s31 =	sadd.s32 s1, s23;
	[sflag:s17] =	ssyncadd.s32 $0xFFFFF000  }
0x70: {  	[tilespmem:s19], [sflag:$0x1] =	stream.linear.gather [hbm4b:s31+s22], $0x1000, $0x38;
	[tilespmem:$0x13080] =	vst v63  }
0x71: {  	_ =	swait.ge [sflag:s17], $0x1000  }
0x72: {  	[sflag:s17] =	ssyncset.done $0x0  }
0x73: {  	s23 =	sadd.s32 s3, s23;
	[sflag:s17] =	ssyncadd.s32 $0xFFFFF000  }
0x74: {  	[tilespmem:s20], [sflag:$0x1] =	stream.linear.gather [hbm4b:s23+s22], $0x1000, $0x38;
	[tilespmem:$0x13080] =	vst v63  }
0x75: {  	_ =	swait.ge [sflag:s17], $0x1000  }
0x76: {  	[sflag:s17] =	ssyncset.done $0x0  }
0x77: {  	s23 =	simm.s32 $0x0;
	[sflag:s17] =	ssyncadd.s32 $0xFFFFF000  }
.LBB2_8:
0x78: {  	s24 =	sshll.u32 s23, $0xB;
	s25 =	sshll.u32 s23, $0x7  }
0x79: {  	s24 =	sand.u32 $0xC000, s24;
	s25 =	sand.u32 $0x380, s25  }
0x7a: {  	s31 =	sand.u32 $0x3C00, s22;
	s24 =	sor.u32 s25, s24  }
0x7b: {  	s26 =	sand.u32 $0x70, s22;
	s28 =	sadd.s32 s31, s24  }
0x7c: {  	s25 =	simm.s32 $0x10;
	s28 =	sadd.s32 s26, s28;
	s26 =	simm.s32 $0x0  }
.LBB2_9:
0x7d: {  	p0 =	sne.s32 s25, $0x7F0  }
0x7e: {  	[tilespmem:s28+$0x0] =	vst v6;
	s26 =	sadd.s32 $0x80, s26;
	s28 =	smov.u32 s25;
	s25 =	sadd.s32 $0x10, s25  }
.Ltmp3:
0x7f: {  	(pc) =	sbr.rel @p0 .LBB2_9-.Ltmp3, $4  }
0x80: {  	_ = 	snop  }
0x81: {  	s29 =	sand.u32 $0x3C00, s26  }
0x82: {  	s28 =	sand.u32 $0x70, s28;
	s29 =	sadd.s32 s29, s24  }
0x83: {  	s28 =	sadd.s32 s28, s29  }
0x84: {  	s23 =	sadd.s32 $0x1, s23  }
0x85: {  	p0 =	sne.s32 s23, $0x20  }
.Ltmp4:
0x86: {  	_ = 	snop;
	(pc) =	sbr.rel @p0 .LBB2_8-.Ltmp4, $2  }
0x87: {  	_ =	sdelay $0x2  }
0x88: {  	[tilespmem:s28+$0x0] =	vst v6  }
0x89: {  	s24 =	simm.s32 $0x0  }
0x8a: {  	v7 =	vld [tilespmem:s24+$0x10000]  }
0x8b: {  	v8 =	vld [tilespmem:s24+$0x11000];
	_ =	sdelay $0x3  }
0x8c: {  	v9 =	vsub.s32 v7, v4  }
0x8d: {  	v10 =	vshll.u32 v8, $0x3;
	v11 =	vshll.u32 v7, $0x7;
	v9 =	vshll.u32 v9, $0xB  }
0x8e: {  	vm0 =	vge.s32 v7, v4;
	v10 =	vand.u32 $0xFFFFFC00, v10;
	v9 =	vand.u32 $0xFFFFC000, v9  }
0x8f: {  	vm1 =	vlt.s32 v7, v5;
	v9 =	vadd.s32 v10, v9;
	v10 =	vand.u32 $0x380, v11  }
0x90: {  	v8 =	vand.u32 $0x7F, v8;
	vm0 =	vmand vm0, vm1;
	v9 =	vor.u32 v10, v9  }
0x91: {  	s22 =	simm.s32 $0x40;
	s23 =	simm.s32 $0x80;
	v7 =	vld [tilespmem:s24+$0x12000];
	v8 =	vor.u32 v8, v9  }
.LBB2_12:
0x92: {  	_ =	sdelay $0x2  }
0x93: {  	p0 =	sne.s32 s23, $0x3FC0  }
0x94: {  	s24 =	sshra.s32 s22, $0x2;
	s22 =	smov.u32 s23;
	s23 =	sadd.s32 $0x40, s23;
	[tilespmem:v8+s8+$0x0] =	vst.idx.msk vm0, v7  }
0x95: {  	v7 =	vld [tilespmem:s24+$0x10000]  }
0x96: {  	v8 =	vld [tilespmem:s24+$0x11000];
	_ =	sdelay $0x3  }
0x97: {  	vm0 =	vge.s32 v7, v4;
	v9 =	vsub.s32 v7, v4;
	v10 =	vshll.u32 v7, $0x7  }
.Ltmp5:
0x98: {  	vm1 =	vlt.s32 v7, v5;
	v7 =	vshll.u32 v9, $0xB;
	v9 =	vshll.u32 v8, $0x3;
	(pc) =	sbr.rel @p0 .LBB2_12-.Ltmp5, $4  }
0x99: {  	vm0 =	vmand vm0, vm1;
	v7 =	vand.u32 $0xFFFFC000, v7;
	v9 =	vand.u32 $0xFFFFFC00, v9  }
0x9a: {  	v7 =	vadd.s32 v9, v7;
	v9 =	vand.u32 $0x380, v10  }
0x9b: {  	v8 =	vand.u32 $0x7F, v8;
	v9 =	vor.u32 v9, v7  }
0x9c: {  	v7 =	vld [tilespmem:s24+$0x12000];
	v8 =	vor.u32 v8, v9  }
0x9d: {  	_ =	sdelay $0x4  }
0x9e: {  	s22 =	sshra.s32 s22, $0x2;
	[tilespmem:v8+s8+$0x0] =	vst.idx.msk vm0, v7  }
0x9f: {  	v7 =	vld [tilespmem:s22+$0x10000]  }
0xa0: {  	v8 =	vld [tilespmem:s22+$0x11000];
	_ =	sdelay $0x3  }
0xa1: {  	v9 =	vsub.s32 v7, v4  }
0xa2: {  	vm15 =	vge.s32 v7, v4;
	v10 =	vshll.u32 v8, $0x3;
	v9 =	vshll.u32 v9, $0xB  }
0xa3: {  	v11 =	vshll.u32 v7, $0x7;
	v10 =	vand.u32 $0xFFFFFC00, v10;
	v9 =	vand.u32 $0xFFFFC000, v9  }
0xa4: {  	vm1 =	vlt.s32 v7, v5;
	v62 =	vand.u32 $0x380, v11;
	v7 =	vadd.s32 v10, v9  }
0xa5: {  	v8 =	vand.u32 $0x7F, v8;
	vm0 =	vmand vm15, vm1;
	v7 =	vor.u32 v62, v7  }
0xa6: {  	v63 =	vld [tilespmem:s22+$0x12000];
	v7 =	vor.u32 v8, v7;
	_ =	sdelay $0x4  }
0xa7: {  	s22 =	simm.s32 $0x0;
	[tilespmem:v7+s8+$0x0] =	vst.idx.msk vm0, v63  }
0xa8: {  	[hbm4b:s12+s22] =	stream.linear.scatter [tilespmem:s22], [sflag:$0x1], $0x10000, $0x38;
	[tilespmem:$0x13080] =	vst v63  }
0xa9: {  	_ =	swait.ge [sflag:s17], $0x10000  }
0xaa: {  	[sflag:s17] =	ssyncset.done $0x0  }
0xab: {  	[sflag:s17] =	ssyncadd.s32 $0xFFFF0000  }
0xac: {  	[tilespmem:s16], [sflag:$0x1] =	stream.linear.gather [hbm4b:s10+s22], $0x80, $0x38;
	[tilespmem:$0x13080] =	vst v63  }
0xad: {  	_ =	swait.ge [sflag:s17], $0x80  }
0xae: {  	[sflag:s17] =	ssyncset.done $0x0  }
0xaf: {  	[sflag:s17] =	ssyncadd.s32 $0xFFFFFF80  }
0xb0: {  	v7 =	vld.idx.msk [tilespmem:v0+s16+$0x0], $0xffff;
	_ =	sdelay $0x4  }
0xb1: {  	v7 =	vxor.u32 $0x80000000, v7  }
0xb2: {  	(xrf0) =	vmax.scan.msk.u32 $0xffff, v7;
	_ =	sdelay $0x5  }
0xb3: {  	v7, _, _ =	vpop (xrf0)  }
0xb4: {  	(v2sf) =	vpush v7, $0xF;
	_ =	sdelay $0xe  }
0xb5: {  	s23 =	spop (v2sf)  }
0xb6: {  	s23 =	sshrl.u32 s23, $0x3  }
0xb7: {  	s23 =	sand.u32 $0x1FFFFFFE, s23  }
0xb8: {  	s23 =	sxor.u32 $0x10000000, s23  }
0xb9: {  	s24 =	sadd.s32 s4, s23  }
0xba: {  	[tilespmem:s18], [sflag:$0x1] =	stream.linear.gather [hbm4b:s24+s22], $0x1000, $0x38;
	[tilespmem:$0x13080] =	vst v63  }
0xbb: {  	_ =	swait.ge [sflag:s17], $0x1000  }
0xbc: {  	[sflag:s17] =	ssyncset.done $0x0  }
0xbd: {  	s31 =	sadd.s32 s5, s23;
	[sflag:s17] =	ssyncadd.s32 $0xFFFFF000  }
0xbe: {  	[tilespmem:s19], [sflag:$0x1] =	stream.linear.gather [hbm4b:s31+s22], $0x1000, $0x38;
	[tilespmem:$0x13080] =	vst v63  }
0xbf: {  	_ =	swait.ge [sflag:s17], $0x1000  }
0xc0: {  	[sflag:s17] =	ssyncset.done $0x0  }
0xc1: {  	s23 =	sadd.s32 s6, s23;
	[sflag:s17] =	ssyncadd.s32 $0xFFFFF000  }
0xc2: {  	[tilespmem:s20], [sflag:$0x1] =	stream.linear.gather [hbm4b:s23+s22], $0x1000, $0x38;
	[tilespmem:$0x13080] =	vst v63  }
0xc3: {  	_ =	swait.ge [sflag:s17], $0x1000  }
0xc4: {  	[sflag:s17] =	ssyncset.done $0x0  }
0xc5: {  	s23 =	simm.s32 $0x0;
	[sflag:s17] =	ssyncadd.s32 $0xFFFFF000  }
.LBB2_14:
0xc6: {  	s24 =	sshll.u32 s23, $0xB;
	s25 =	sshll.u32 s23, $0x7  }
0xc7: {  	s24 =	sand.u32 $0xC000, s24;
	s25 =	sand.u32 $0x380, s25  }
0xc8: {  	s31 =	sand.u32 $0x3C00, s22;
	s24 =	sor.u32 s25, s24  }
0xc9: {  	s26 =	sand.u32 $0x70, s22;
	s28 =	sadd.s32 s31, s24  }
0xca: {  	s25 =	simm.s32 $0x10;
	s28 =	sadd.s32 s26, s28;
	s26 =	simm.s32 $0x0  }
.LBB2_15:
0xcb: {  	p0 =	sne.s32 s25, $0x7F0  }
0xcc: {  	[tilespmem:s28+$0x0] =	vst v6;
	s26 =	sadd.s32 $0x80, s26;
	s28 =	smov.u32 s25;
	s25 =	sadd.s32 $0x10, s25  }
.Ltmp6:
0xcd: {  	(pc) =	sbr.rel @p0 .LBB2_15-.Ltmp6, $4  }
0xce: {  	_ = 	snop  }
0xcf: {  	s29 =	sand.u32 $0x3C00, s26  }
0xd0: {  	s28 =	sand.u32 $0x70, s28;
	s29 =	sadd.s32 s29, s24  }
0xd1: {  	s28 =	sadd.s32 s28, s29  }
0xd2: {  	s23 =	sadd.s32 $0x1, s23  }
0xd3: {  	p0 =	sne.s32 s23, $0x20  }
.Ltmp7:
0xd4: {  	_ = 	snop;
	(pc) =	sbr.rel @p0 .LBB2_14-.Ltmp7, $2  }
0xd5: {  	_ =	sdelay $0x2  }
0xd6: {  	[tilespmem:s28+$0x0] =	vst v6  }
0xd7: {  	s24 =	simm.s32 $0x0  }
0xd8: {  	v7 =	vld [tilespmem:s24+$0x10000]  }
0xd9: {  	v8 =	vld [tilespmem:s24+$0x11000];
	_ =	sdelay $0x3  }
0xda: {  	v9 =	vsub.s32 v7, v1  }
0xdb: {  	v10 =	vshll.u32 v8, $0x3;
	v11 =	vshll.u32 v7, $0x7;
	v9 =	vshll.u32 v9, $0xB  }
0xdc: {  	vm0 =	vge.s32 v7, v1;
	v10 =	vand.u32 $0xFFFFFC00, v10;
	v9 =	vand.u32 $0xFFFFC000, v9  }
0xdd: {  	vm1 =	vlt.s32 v7, v2;
	v9 =	vadd.s32 v10, v9;
	v10 =	vand.u32 $0x380, v11  }
0xde: {  	v8 =	vand.u32 $0x7F, v8;
	vm0 =	vmand vm0, vm1;
	v9 =	vor.u32 v10, v9  }
0xdf: {  	s22 =	simm.s32 $0x40;
	s23 =	simm.s32 $0x80;
	v7 =	vld [tilespmem:s24+$0x12000];
	v8 =	vor.u32 v8, v9  }
.LBB2_18:
0xe0: {  	_ =	sdelay $0x2  }
0xe1: {  	p0 =	sne.s32 s23, $0x3FC0  }
0xe2: {  	s24 =	sshra.s32 s22, $0x2;
	s22 =	smov.u32 s23;
	s23 =	sadd.s32 $0x40, s23;
	[tilespmem:v8+s8+$0x0] =	vst.idx.msk vm0, v7  }
0xe3: {  	v7 =	vld [tilespmem:s24+$0x10000]  }
0xe4: {  	v8 =	vld [tilespmem:s24+$0x11000];
	_ =	sdelay $0x3  }
0xe5: {  	vm0 =	vge.s32 v7, v1;
	v9 =	vsub.s32 v7, v1;
	v10 =	vshll.u32 v7, $0x7  }
.Ltmp8:
0xe6: {  	vm1 =	vlt.s32 v7, v2;
	v7 =	vshll.u32 v9, $0xB;
	v9 =	vshll.u32 v8, $0x3;
	(pc) =	sbr.rel @p0 .LBB2_18-.Ltmp8, $4  }
0xe7: {  	vm0 =	vmand vm0, vm1;
	v7 =	vand.u32 $0xFFFFC000, v7;
	v9 =	vand.u32 $0xFFFFFC00, v9  }
0xe8: {  	v7 =	vadd.s32 v9, v7;
	v9 =	vand.u32 $0x380, v10  }
0xe9: {  	v8 =	vand.u32 $0x7F, v8;
	v9 =	vor.u32 v9, v7  }
0xea: {  	v7 =	vld [tilespmem:s24+$0x12000];
	v8 =	vor.u32 v8, v9  }
0xeb: {  	_ =	sdelay $0x4  }
0xec: {  	s22 =	sshra.s32 s22, $0x2;
	[tilespmem:v8+s8+$0x0] =	vst.idx.msk vm0, v7  }
0xed: {  	v7 =	vld [tilespmem:s22+$0x10000]  }
0xee: {  	v8 =	vld [tilespmem:s22+$0x11000];
	_ =	sdelay $0x3  }
0xef: {  	v9 =	vsub.s32 v7, v1  }
0xf0: {  	vm15 =	vge.s32 v7, v1;
	v10 =	vshll.u32 v8, $0x3;
	v9 =	vshll.u32 v9, $0xB  }
0xf1: {  	v11 =	vshll.u32 v7, $0x7;
	v10 =	vand.u32 $0xFFFFFC00, v10;
	v9 =	vand.u32 $0xFFFFC000, v9  }
0xf2: {  	vm1 =	vlt.s32 v7, v2;
	v62 =	vand.u32 $0x380, v11;
	v7 =	vadd.s32 v10, v9  }
0xf3: {  	v8 =	vand.u32 $0x7F, v8;
	vm0 =	vmand vm15, vm1;
	v7 =	vor.u32 v62, v7  }
0xf4: {  	v63 =	vld [tilespmem:s22+$0x12000];
	v7 =	vor.u32 v8, v7;
	_ =	sdelay $0x4  }
0xf5: {  	s22 =	simm.s32 $0x0;
	[tilespmem:v7+s8+$0x0] =	vst.idx.msk vm0, v63  }
0xf6: {  	[hbm4b:s13+s22] =	stream.linear.scatter [tilespmem:s22], [sflag:$0x1], $0x10000, $0x38;
	[tilespmem:$0x13080] =	vst v63  }
0xf7: {  	_ =	swait.ge [sflag:s17], $0x10000  }
0xf8: {  	[sflag:s17] =	ssyncset.done $0x0  }
0xf9: {  	[sflag:s17] =	ssyncadd.s32 $0xFFFF0000  }
0xfa: {  	v7 =	vld.idx.msk [tilespmem:v3+s16+$0x0], $0xffff;
	_ =	sdelay $0x4  }
0xfb: {  	v7 =	vxor.u32 $0x80000000, v7  }
0xfc: {  	(xrf0) =	vmax.scan.msk.u32 $0xffff, v7;
	_ =	sdelay $0x5  }
0xfd: {  	v7, _, _ =	vpop (xrf0)  }
0xfe: {  	(v2sf) =	vpush v7, $0xF;
	_ =	sdelay $0xe  }
0xff: {  	s23 =	spop (v2sf)  }
0x100: {  	s23 =	sshrl.u32 s23, $0x3  }
0x101: {  	s23 =	sand.u32 $0x1FFFFFFE, s23  }
0x102: {  	s23 =	sxor.u32 $0x10000000, s23  }
0x103: {  	s24 =	sadd.s32 s4, s23  }
0x104: {  	[tilespmem:s18], [sflag:$0x1] =	stream.linear.gather [hbm4b:s24+s22], $0x1000, $0x38;
	[tilespmem:$0x13080] =	vst v63  }
0x105: {  	_ =	swait.ge [sflag:s17], $0x1000  }
0x106: {  	[sflag:s17] =	ssyncset.done $0x0  }
0x107: {  	s31 =	sadd.s32 s5, s23;
	[sflag:s17] =	ssyncadd.s32 $0xFFFFF000  }
0x108: {  	[tilespmem:s19], [sflag:$0x1] =	stream.linear.gather [hbm4b:s31+s22], $0x1000, $0x38;
	[tilespmem:$0x13080] =	vst v63  }
0x109: {  	_ =	swait.ge [sflag:s17], $0x1000  }
0x10a: {  	[sflag:s17] =	ssyncset.done $0x0  }
0x10b: {  	s23 =	sadd.s32 s6, s23;
	[sflag:s17] =	ssyncadd.s32 $0xFFFFF000  }
0x10c: {  	[tilespmem:s20], [sflag:$0x1] =	stream.linear.gather [hbm4b:s23+s22], $0x1000, $0x38;
	[tilespmem:$0x13080] =	vst v63  }
0x10d: {  	_ =	swait.ge [sflag:s17], $0x1000  }
0x10e: {  	[sflag:s17] =	ssyncset.done $0x0  }
0x10f: {  	s23 =	simm.s32 $0x0;
	[sflag:s17] =	ssyncadd.s32 $0xFFFFF000  }
.LBB2_20:
0x110: {  	s24 =	sshll.u32 s23, $0xB;
	s25 =	sshll.u32 s23, $0x7  }
0x111: {  	s24 =	sand.u32 $0xC000, s24;
	s25 =	sand.u32 $0x380, s25  }
0x112: {  	s31 =	sand.u32 $0x3C00, s22;
	s24 =	sor.u32 s25, s24  }
0x113: {  	s26 =	sand.u32 $0x70, s22;
	s28 =	sadd.s32 s31, s24  }
0x114: {  	s25 =	simm.s32 $0x10;
	s28 =	sadd.s32 s26, s28;
	s26 =	simm.s32 $0x0  }
.LBB2_21:
0x115: {  	p0 =	sne.s32 s25, $0x7F0  }
0x116: {  	[tilespmem:s28+$0x0] =	vst v6;
	s26 =	sadd.s32 $0x80, s26;
	s28 =	smov.u32 s25;
	s25 =	sadd.s32 $0x10, s25  }
.Ltmp9:
0x117: {  	(pc) =	sbr.rel @p0 .LBB2_21-.Ltmp9, $4  }
0x118: {  	_ = 	snop  }
0x119: {  	s29 =	sand.u32 $0x3C00, s26  }
0x11a: {  	s28 =	sand.u32 $0x70, s28;
	s29 =	sadd.s32 s29, s24  }
0x11b: {  	s28 =	sadd.s32 s28, s29  }
0x11c: {  	s23 =	sadd.s32 $0x1, s23  }
0x11d: {  	p0 =	sne.s32 s23, $0x20  }
.Ltmp10:
0x11e: {  	_ = 	snop;
	(pc) =	sbr.rel @p0 .LBB2_20-.Ltmp10, $2  }
0x11f: {  	_ =	sdelay $0x2  }
0x120: {  	[tilespmem:s28+$0x0] =	vst v6  }
0x121: {  	s24 =	simm.s32 $0x0  }
0x122: {  	v7 =	vld [tilespmem:s24+$0x10000]  }
0x123: {  	v8 =	vld [tilespmem:s24+$0x11000];
	_ =	sdelay $0x3  }
0x124: {  	v9 =	vsub.s32 v7, v4  }
0x125: {  	v10 =	vshll.u32 v8, $0x3;
	v11 =	vshll.u32 v7, $0x7;
	v9 =	vshll.u32 v9, $0xB  }
0x126: {  	vm0 =	vge.s32 v7, v4;
	v10 =	vand.u32 $0xFFFFFC00, v10;
	v9 =	vand.u32 $0xFFFFC000, v9  }
0x127: {  	vm1 =	vlt.s32 v7, v5;
	v9 =	vadd.s32 v10, v9;
	v10 =	vand.u32 $0x380, v11  }
0x128: {  	v8 =	vand.u32 $0x7F, v8;
	vm0 =	vmand vm0, vm1;
	v9 =	vor.u32 v10, v9  }
0x129: {  	s22 =	simm.s32 $0x40;
	s23 =	simm.s32 $0x80;
	v7 =	vld [tilespmem:s24+$0x12000];
	v8 =	vor.u32 v8, v9  }
.LBB2_24:
0x12a: {  	_ =	sdelay $0x2  }
0x12b: {  	p0 =	sne.s32 s23, $0x3FC0  }
0x12c: {  	s24 =	sshra.s32 s22, $0x2;
	s22 =	smov.u32 s23;
	s23 =	sadd.s32 $0x40, s23;
	[tilespmem:v8+s8+$0x0] =	vst.idx.msk vm0, v7  }
0x12d: {  	v7 =	vld [tilespmem:s24+$0x10000]  }
0x12e: {  	v8 =	vld [tilespmem:s24+$0x11000];
	_ =	sdelay $0x3  }
0x12f: {  	vm0 =	vge.s32 v7, v4;
	v9 =	vsub.s32 v7, v4;
	v10 =	vshll.u32 v7, $0x7  }
.Ltmp11:
0x130: {  	vm1 =	vlt.s32 v7, v5;
	v7 =	vshll.u32 v9, $0xB;
	v9 =	vshll.u32 v8, $0x3;
	(pc) =	sbr.rel @p0 .LBB2_24-.Ltmp11, $4  }
0x131: {  	vm0 =	vmand vm0, vm1;
	v7 =	vand.u32 $0xFFFFC000, v7;
	v9 =	vand.u32 $0xFFFFFC00, v9  }
0x132: {  	v7 =	vadd.s32 v9, v7;
	v9 =	vand.u32 $0x380, v10  }
0x133: {  	v8 =	vand.u32 $0x7F, v8;
	v9 =	vor.u32 v9, v7  }
0x134: {  	v7 =	vld [tilespmem:s24+$0x12000];
	v8 =	vor.u32 v8, v9  }
0x135: {  	_ =	sdelay $0x4  }
0x136: {  	s22 =	sshra.s32 s22, $0x2;
	[tilespmem:v8+s8+$0x0] =	vst.idx.msk vm0, v7  }
0x137: {  	v7 =	vld [tilespmem:s22+$0x10000]  }
0x138: {  	v8 =	vld [tilespmem:s22+$0x11000];
	_ =	sdelay $0x3  }
0x139: {  	v9 =	vsub.s32 v7, v4  }
0x13a: {  	vm15 =	vge.s32 v7, v4;
	v10 =	vshll.u32 v8, $0x3;
	v9 =	vshll.u32 v9, $0xB  }
0x13b: {  	v11 =	vshll.u32 v7, $0x7;
	v10 =	vand.u32 $0xFFFFFC00, v10;
	v9 =	vand.u32 $0xFFFFC000, v9  }
0x13c: {  	vm1 =	vlt.s32 v7, v5;
	v62 =	vand.u32 $0x380, v11;
	v7 =	vadd.s32 v10, v9  }
0x13d: {  	v8 =	vand.u32 $0x7F, v8;
	vm0 =	vmand vm15, vm1;
	v7 =	vor.u32 v62, v7  }
0x13e: {  	v63 =	vld [tilespmem:s22+$0x12000];
	v7 =	vor.u32 v8, v7;
	_ =	sdelay $0x2  }
0x13f: {  	s21 =	sadd.s32 $0x1, s21  }
0x140: {  	p0 =	sne.s32 s21, s15  }
.Ltmp12:
0x141: {  	[tilespmem:v7+s8+$0x0] =	vst.idx.msk vm0, v63;
	(pc) =	sbr.rel @p0 .LBB2_1-.Ltmp12, $4  }
0x142: {  	[hbm4b:s14+s8] =	stream.linear.scatter [tilespmem:s8], [sflag:$0x1], $0x10000, $0x38;
	[tilespmem:$0x13080] =	vst v63  }
0x143: {  	_ =	swait.ge [sflag:s17], $0x10000  }
0x144: {  	[sflag:s17] =	ssyncset.done $0x0  }
0x145: {  	[sflag:s17] =	ssyncadd.s32 $0xFFFF0000  }
0x146: {  	_ =	sfence.sel $0x180000  }
0x147: {  	[bflag:$0x0] =	sbarrier.arrive $0xFFFF  }
0x148: {  	p0 =	sne.s32 s7, $0x0;
	_ =	strace $0x90000047  }
0x149: {  	s0 =	sadd.s32 @!p0 $0x100000, s2;
	[bflag:$0x2] =	sbarrier.arrive $0xFFFF  }
0x14a: {  	[sflag:s0] =	ssyncadd.tile.s32 @!p0 $0x1;
	_ =	shalt  }
.Lfunc_end2:
_tile_overlayer_lowered:
.L_overlay_start_2:
0x14b: {  	(tag) =	ssettag $0x2  }
0x14c: {  	s0 =	rddreg [dreg:$0x0];
	s2 =	stileid.u32  }
0x14d: {  	s1 =	rddreg [dreg:$0x1];
	p0 =	sne.s32 s2, $0x0  }
0x14e: {  	s3 =	rddreg [dreg:$0x2];
	[bflag:$0x3] =	sbarrier.arrive $0xFFFF;
	s2 =	simm.s32 @!p0 $0x1C01  }
0x14f: {  	[timem:s3], [sflag:s2] =	dma.local @!p0 [hbm:s0], s1  }
0x150: {  	s0 =	simm.s32 @!p0 $0x1  }
0x151: {  	_ =	swait.ge @!p0 [sflag:s0], s1  }
0x152: {  	s1 =	ssub.s32 @!p0 $0x0, s1;
	[sflag:s0] =	ssyncset.done @!p0 $0x0  }
0x153: {  	[sflag:s0] =	ssyncadd.s32 @!p0 s1  }
0x154: {  	[bflag:$0x3] =	sbarrier.arrive $0xFFFF  }
0x155: {  	_ =	shalt  }

</sc_bundles>
